<compile_context>
chip_gen: v7x
topology: tpu7x:2x2x1
jax: 0.10.2.dev20260603
libtpu: 0.0.44.dev20260713+nightly
codegen_flags: <defaults>
</compile_context>

<pallas_src>
import functools

import jax
import jax.numpy as jnp
from jax import lax
from jax.experimental import pallas as pl
from jax.experimental.pallas import tpu as pltpu
from jax.experimental.pallas import tpu_sc as plsc

N = 10000
G = 64
H = 128
NC = 2
NS = 16
NW = NC * NS
CHUNK = 128
KB = 40
NSTG = 64
C0_STG = 64
EPAD = NSTG * KB * CHUNK
NPAD = 10240
RPT = NPAD // NS
DW = 16

_mesh = plsc.VectorSubcoreMesh(core_axis_name="c", subcore_axis_name="s")

_dot = functools.partial(jnp.dot, precision=lax.Precision.HIGHEST,
                         preferred_element_type=jnp.float32)



@functools.partial(
    pl.kernel,
    out_type=jax.ShapeDtypeStruct((NC, NPAD, DW), jnp.float32),
    mesh=_mesh,
    scratch_types=[
        pltpu.VMEM((KB, CHUNK), jnp.int32),
        pltpu.VMEM((CHUNK, DW), jnp.float32),
        pltpu.VMEM((CHUNK, DW), jnp.float32),
        pltpu.VMEM_SHARED((NPAD, DW), jnp.float32),
    ],
)
def _sc_degree(dstw_hbm, out_hbm, idx_d, ones_v, zero_v, acc):
    c = lax.axis_index("c")
    s = lax.axis_index("s")
    wid = s * NC + c

    def fill(i, carry):
        ones_v[i] = jnp.full((DW,), 1.0, jnp.float32)
        zero_v[i] = jnp.zeros((DW,), jnp.float32)
        return carry

    lax.fori_loop(0, CHUNK, fill, 0)
    for r in range(RPT // CHUNK):
        pltpu.sync_copy(zero_v, acc.at[pl.ds(s * RPT + r * CHUNK, CHUNK)])
    plsc.subcore_barrier()

    def body(j, carry):
        pltpu.sync_copy(ones_v, acc.at[idx_d.at[j]], add=True)
        return carry

    for t in range(NSTG // NW):
        pltpu.sync_copy(dstw_hbm.at[(NSTG // NW) * wid + t], idx_d)
        lax.fori_loop(0, KB, body, 0)
    plsc.subcore_barrier()
    pltpu.sync_copy(acc.at[pl.ds(s * RPT, RPT)], out_hbm.at[c, pl.ds(s * RPT, RPT)])


@functools.partial(
    pl.kernel,
    out_type=jax.ShapeDtypeStruct((NPAD, H), jnp.float32),
    mesh=_mesh,
    scratch_types=[
        pltpu.VMEM((KB, CHUNK), jnp.int32),
        pltpu.VMEM((KB, CHUNK), jnp.int32),
        pltpu.VMEM((CHUNK, H), jnp.float32),
        pltpu.VMEM((CHUNK, H), jnp.float32),
        pltpu.VMEM_SHARED((NPAD, H), jnp.float32),
        pltpu.SemaphoreType.DMA,
        pltpu.SemaphoreType.DMA,
    ],
)
def _sc_aggregate(sx_hbm, srcw_hbm, dstw_hbm, out_hbm,
                  idx_s, idx_d, rows0, rows1, acc, sem0, sem1):
    c = lax.axis_index("c")
    s = lax.axis_index("s")

    def fill(i, carry):
        for jj in range(H // 16):
            rows0[i, pl.ds(jj * 16, 16)] = jnp.zeros((16,), jnp.float32)
        return carry

    lax.fori_loop(0, CHUNK, fill, 0)
    for r in range(RPT // CHUNK):
        pltpu.sync_copy(rows0, acc.at[pl.ds(s * RPT + r * CHUNK, CHUNK)])
    plsc.subcore_barrier()

    def body(i, carry):
        for b, (rows, sem) in enumerate(((rows0, sem0), (rows1, sem1))):
            j = i * 2 + b
            pltpu.make_async_copy(sx_hbm.at[idx_s.at[j]], rows, sem).wait()
            pltpu.sync_copy(rows, acc.at[idx_d.at[j]], add=True)
            jn = j + 2

            @pl.when(jn < KB)
            def _():
                pltpu.async_copy(sx_hbm.at[idx_s.at[jn]], rows, sem)
        return carry

    def stage(t, carry):
        tg = carry + t
        pltpu.sync_copy(srcw_hbm.at[tg], idx_s)
        pltpu.sync_copy(dstw_hbm.at[tg], idx_d)
        pltpu.async_copy(sx_hbm.at[idx_s.at[0]], rows0, sem0)
        pltpu.async_copy(sx_hbm.at[idx_s.at[1]], rows1, sem1)
        lax.fori_loop(0, KB // 2, body, 0)
        return carry

    @pl.when(c == 0)
    def _():
        lax.fori_loop(0, C0_STG // NS, stage, (C0_STG // NS) * s)

    plsc.subcore_barrier()

    @pl.when(c == 0)
    def _():
        pltpu.sync_copy(acc.at[pl.ds(s * RPT, RPT)], out_hbm.at[pl.ds(s * RPT, RPT)])



def _tc_scale(deg0, deg1, x):
    def body(d0, d1, x_ref, sx_ref, dis_ref, deg_ref):
        deg = d0[:, 0:1] + d1[:, 0:1] + 1.0
        dis = lax.rsqrt(deg)
        deg_ref[...] = deg
        dis_ref[...] = dis
        sx_ref[...] = x_ref[...] * dis

    return pl.pallas_call(
        body,
        out_shape=[jax.ShapeDtypeStruct((N, H), jnp.float32),
                   jax.ShapeDtypeStruct((N, 1), jnp.float32),
                   jax.ShapeDtypeStruct((N, 1), jnp.float32)],
    )(deg0, deg1, x)


RB = 2000


def _row_spec(width):
    return pl.BlockSpec((RB, width), lambda i: (i, 0))


def _full_spec(r, c):
    return pl.BlockSpec((r, c), lambda i: (0, 0))


def _tc_layer1(a0, x, dis, deg, W1, b1):
    def body(a0_ref, x_ref, dis_ref, deg_ref, w_ref, b_ref,
             y_ref, sy_ref):
        p = dis_ref[...] * a0_ref[...] + x_ref[...] / deg_ref[...]
        z = _dot(p, w_ref[...]) + b_ref[...]
        y = jnp.maximum(z, 0.0)
        y_ref[...] = y
        sy_ref[...] = dis_ref[...] * y

    return pl.pallas_call(
        body,
        grid=(N // RB,),
        in_specs=[_row_spec(H), _row_spec(H), _row_spec(1),
                  _row_spec(1), _full_spec(H, H), _full_spec(1, H)],
        out_specs=[_row_spec(H), _row_spec(H)],
        out_shape=[jax.ShapeDtypeStruct((N, H), jnp.float32),
                   jax.ShapeDtypeStruct((N, H), jnp.float32)],
    )(a0, x, dis, deg, W1, b1)


def _tc_layer2_pool(a0, y, dis, deg, W2, b2, W3, b3, batch):
    def body(a0_ref, y_ref, dis_ref, deg_ref, w2_ref, b2_ref,
             w3_ref, b3_ref, batch_ref, out_ref, s_acc, c_acc):
        i = pl.program_id(0)
        p = dis_ref[...] * a0_ref[...] + y_ref[...] / deg_ref[...]
        z = _dot(p, w2_ref[...]) + b2_ref[...]
        gids = lax.broadcasted_iota(jnp.int32, (G, RB), 0)
        onehot = jnp.where(batch_ref[0] == gids, 1.0, 0.0)
        ssum = _dot(onehot, z)
        cnt = jnp.sum(onehot, axis=1, keepdims=True)

        @pl.when(i == 0)
        def _():
            s_acc[...] = jnp.zeros_like(s_acc)
            c_acc[...] = jnp.zeros_like(c_acc)

        s_acc[...] += ssum
        c_acc[...] += cnt

        @pl.when(i == N // RB - 1)
        def _():
            pooled = s_acc[...] / jnp.maximum(c_acc[...], 1.0)
            out_ref[...] = _dot(pooled, w3_ref[...]) + b3_ref[...]

    return pl.pallas_call(
        body,
        grid=(N // RB,),
        in_specs=[_row_spec(H), _row_spec(H), _row_spec(1),
                  _row_spec(1), _full_spec(H, H), _full_spec(1, H),
                  _full_spec(H, 1), _full_spec(1, 1),
                  pl.BlockSpec((1, 1, RB), lambda i: (i, 0, 0))],
        out_specs=pl.BlockSpec((G, 1), lambda i: (0, 0)),
        out_shape=jax.ShapeDtypeStruct((G, 1), jnp.float32),
        scratch_shapes=[pltpu.VMEM((G, H), jnp.float32),
                        pltpu.VMEM((G, 1), jnp.float32)],
    )(a0, y, dis, deg, W2, b2, W3, b3, batch)



def kernel(x, edge_index, edge_attr, batch, W1, b1, W2, b2, W3, b3):
    src = edge_index[0].astype(jnp.int32)
    dst = edge_index[1].astype(jnp.int32)
    e = src.shape[0]
    pad = EPAD - e
    srcw = jnp.concatenate([src, jnp.zeros((pad,), jnp.int32)]).reshape(NSTG, KB, CHUNK)
    dstw = jnp.concatenate([dst, jnp.full((pad,), N, jnp.int32)]).reshape(NSTG, KB, CHUNK)

    degp = _sc_degree(dstw)
    sx, dis, deg = _tc_scale(degp[0, :N], degp[1, :N], x)

    a1 = _sc_aggregate(sx, srcw, dstw)
    y, sy = _tc_layer1(a1[:N], x, dis, deg,
                       W1, b1.reshape(1, H))

    a2 = _sc_aggregate(sy, srcw, dstw)
    out = _tc_layer2_pool(a2[:N], y, dis, deg,
                          W2, b2.reshape(1, H), W3, b3.reshape(1, 1),
                          batch.astype(jnp.int32).reshape(N // RB, 1, RB))
    return out

# --- scband reference (transcript-rebuilt; emitter-appended) ---
"""Pipeline reference for scband-predictive-maintenance-gnn-17463337025660 (READ-ONLY COPY).

The authoritative reference and input builder live on the scoring server;
editing this copy changes nothing except your own understanding.
"""

import jax, jax.numpy as jnp
import numpy as np

N = 10000
G = 64
D_IN = 128
H = 128
D_OUT = 1


def gcn_conv(x, edge_index, W, b):
    src = edge_index[0]
    dst = edge_index[1]
    loop = jnp.arange(N, dtype=src.dtype)
    src = jnp.concatenate([src, loop])
    dst = jnp.concatenate([dst, loop])
    deg = jnp.zeros((N,), jnp.float32).at[dst].add(1.0)
    dis = jnp.where(deg > 0.0, jax.lax.rsqrt(jnp.maximum(deg, 1e-12)), 0.0)
    norm = dis[src] * dis[dst]
    h = x @ W
    msg = h[src] * norm[:, None]
    out = jax.ops.segment_sum(msg, dst, num_segments=N)
    return out + b


def setup_inputs(seed: int = 0) -> dict:
    key = jax.random.key(seed)
    ks = jax.random.split(key, 10)
    x = jax.random.normal(ks[0], (N, D_IN), dtype=jnp.float32)
    edge_index = jax.random.randint(ks[1], (2, 320000), 0, N, dtype=jnp.int64)
    edge_attr = jax.random.normal(ks[2], (320000, 16), dtype=jnp.float32)
    batch = jnp.sort(jax.random.randint(ks[3], (N,), 0, G, dtype=jnp.int64))
    W1 = jax.random.normal(ks[4], (D_IN, H), dtype=jnp.float32) * (1.0 / np.sqrt(D_IN))
    b1 = jnp.zeros((H,), jnp.float32)
    W2 = jax.random.normal(ks[5], (H, H), dtype=jnp.float32) * (1.0 / np.sqrt(H))
    b2 = jnp.zeros((H,), jnp.float32)
    W3 = jax.random.normal(ks[6], (H, D_OUT), dtype=jnp.float32) * (1.0 / np.sqrt(H))
    b3 = jnp.zeros((D_OUT,), jnp.float32)
    return {"x": x, "edge_index": edge_index, "edge_attr": edge_attr, "batch": batch,
            "W1": W1, "b1": b1, "W2": W2, "b2": b2, "W3": W3, "b3": b3}


def reference(x, edge_index, edge_attr, batch, W1, b1, W2, b2, W3, b3):
    # conv1 + relu
    h = gcn_conv(x, edge_index, W1, b1)
    h = jax.nn.relu(h)
    # conv2 (no relu, matching original forward)
    h = gcn_conv(h, edge_index, W2, b2)
    # global mean pool over batch assignment
    s = jax.ops.segment_sum(h, batch, num_segments=G)
    cnt = jax.ops.segment_sum(jnp.ones((N, 1), jnp.float32), batch, num_segments=G)
    pooled = s / jnp.maximum(cnt, 1.0)
    # final linear
    out = pooled @ W3 + b3
    return out

if __name__ == "__main__":
    import jax
    _d = setup_inputs()
    print(jax.jit(kernel)(*tuple(_d.values())))

</pallas_src>

<mosaic_0001>
#map = affine_map<(d0, d1) -> (0, 0)>
#map1 = affine_map<(d0, d1) -> (0, 0, 0)>
module attributes {stable_mosaic.version = 14 : i64} {
  func.func @_sc_aggregate(%arg0: i32, %arg1: i32, %arg2: memref<10000x128xf32, #tpu.memory_space<hbm>>, %arg3: memref<64x40x128xi32, #tpu.memory_space<hbm>>, %arg4: memref<64x40x128xi32, #tpu.memory_space<hbm>>, %arg5: memref<10240x128xf32, #tpu.memory_space<hbm>>, %arg6: memref<40x128xi32, #tpu.memory_space<vmem>>, %arg7: memref<40x128xi32, #tpu.memory_space<vmem>>, %arg8: memref<128x128xf32, #tpu.memory_space<vmem>>, %arg9: memref<128x128xf32, #tpu.memory_space<vmem>>, %arg10: memref<10240x128xf32, #tpu.memory_space<vmem_shared>>, %arg11: memref<!tpu.dma_semaphore, #tpu.memory_space<semaphore_mem>>, %arg12: memref<!tpu.dma_semaphore, #tpu.memory_space<semaphore_mem>>) attributes {dimension_semantics = [#tpu.dimension_semantics<core_parallel>, #tpu.dimension_semantics<subcore_parallel>], iteration_bounds = array<i64: 2, 16>, scalar_prefetch = 0 : i64, scratch_operands = 7 : i64, tpu.core_type = #tpu.core_type<sc_vector_subcore>, window_params = [{transform_indices = #map}, {transform_indices = #map1}, {transform_indices = #map1}, {transform_indices = #map}]} {
    %scan3A = arith.constant 0 : i32
    %scan3A_0 = arith.constant 0 : i32
    %scan3A_1 = arith.constant 128 : i32
    %scan3A_2 = arith.addi %scan3A_0, %scan3A_1 : i32
    %scan3A_3 = arith.constant 1 : i32
    scf.for %scan3A_31 = %scan3A_0 to %scan3A_2 step %scan3A_3  : i32 {
      %broadcast_in_dim3A = arith.constant 0.000000e+00 : f32
      %broadcast_in_dim3A_32 = vector.broadcast %broadcast_in_dim3A : f32 to vector<16xf32>
      %swap3A = arith.index_cast %scan3A_31 : i32 to index
      %swap3A_33 = arith.constant 0 : index
      %swap3A_34 = tpu.vector_load %arg8[%swap3A, %swap3A_33] {strides = array<i32>} : memref<128x128xf32, #tpu.memory_space<vmem>>, vector<1x16xf32>,
      %swap3A_35 = vector.shape_cast %swap3A_34 : vector<1x16xf32> to vector<16xf32>
      %swap3A_36 = vector.shape_cast %broadcast_in_dim3A_32 : vector<16xf32> to vector<1x16xf32>
      tpu.vector_store %arg8[%swap3A, %swap3A_33], %swap3A_36 {strides = array<i32>} : memref<128x128xf32, #tpu.memory_space<vmem>>, vector<1x16xf32>,
      %broadcast_in_dim3A_37 = arith.constant 0.000000e+00 : f32
      %broadcast_in_dim3A_38 = vector.broadcast %broadcast_in_dim3A_37 : f32 to vector<16xf32>
      %swap3A_39 = arith.index_cast %scan3A_31 : i32 to index
      %swap3A_40 = arith.constant 16 : index
      %swap3A_41 = tpu.vector_load %arg8[%swap3A_39, %swap3A_40] {strides = array<i32>} : memref<128x128xf32, #tpu.memory_space<vmem>>, vector<1x16xf32>,
      %swap3A_42 = vector.shape_cast %swap3A_41 : vector<1x16xf32> to vector<16xf32>
      %swap3A_43 = vector.shape_cast %broadcast_in_dim3A_38 : vector<16xf32> to vector<1x16xf32>
      tpu.vector_store %arg8[%swap3A_39, %swap3A_40], %swap3A_43 {strides = array<i32>} : memref<128x128xf32, #tpu.memory_space<vmem>>, vector<1x16xf32>,
      %broadcast_in_dim3A_44 = arith.constant 0.000000e+00 : f32
      %broadcast_in_dim3A_45 = vector.broadcast %broadcast_in_dim3A_44 : f32 to vector<16xf32>
      %swap3A_46 = arith.index_cast %scan3A_31 : i32 to index
      %swap3A_47 = arith.constant 32 : index
      %swap3A_48 = tpu.vector_load %arg8[%swap3A_46, %swap3A_47] {strides = array<i32>} : memref<128x128xf32, #tpu.memory_space<vmem>>, vector<1x16xf32>,
      %swap3A_49 = vector.shape_cast %swap3A_48 : vector<1x16xf32> to vector<16xf32>
      %swap3A_50 = vector.shape_cast %broadcast_in_dim3A_45 : vector<16xf32> to vector<1x16xf32>
      tpu.vector_store %arg8[%swap3A_46, %swap3A_47], %swap3A_50 {strides = array<i32>} : memref<128x128xf32, #tpu.memory_space<vmem>>, vector<1x16xf32>,
      %broadcast_in_dim3A_51 = arith.constant 0.000000e+00 : f32
      %broadcast_in_dim3A_52 = vector.broadcast %broadcast_in_dim3A_51 : f32 to vector<16xf32>
      %swap3A_53 = arith.index_cast %scan3A_31 : i32 to index
      %swap3A_54 = arith.constant 48 : index
      %swap3A_55 = tpu.vector_load %arg8[%swap3A_53, %swap3A_54] {strides = array<i32>} : memref<128x128xf32, #tpu.memory_space<vmem>>, vector<1x16xf32>,
      %swap3A_56 = vector.shape_cast %swap3A_55 : vector<1x16xf32> to vector<16xf32>
      %swap3A_57 = vector.shape_cast %broadcast_in_dim3A_52 : vector<16xf32> to vector<1x16xf32>
      tpu.vector_store %arg8[%swap3A_53, %swap3A_54], %swap3A_57 {strides = array<i32>} : memref<128x128xf32, #tpu.memory_space<vmem>>, vector<1x16xf32>,
      %broadcast_in_dim3A_58 = arith.constant 0.000000e+00 : f32
      %broadcast_in_dim3A_59 = vector.broadcast %broadcast_in_dim3A_58 : f32 to vector<16xf32>
      %swap3A_60 = arith.index_cast %scan3A_31 : i32 to index
      %swap3A_61 = arith.constant 64 : index
      %swap3A_62 = tpu.vector_load %arg8[%swap3A_60, %swap3A_61] {strides = array<i32>} : memref<128x128xf32, #tpu.memory_space<vmem>>, vector<1x16xf32>,
      %swap3A_63 = vector.shape_cast %swap3A_62 : vector<1x16xf32> to vector<16xf32>
      %swap3A_64 = vector.shape_cast %broadcast_in_dim3A_59 : vector<16xf32> to vector<1x16xf32>
      tpu.vector_store %arg8[%swap3A_60, %swap3A_61], %swap3A_64 {strides = array<i32>} : memref<128x128xf32, #tpu.memory_space<vmem>>, vector<1x16xf32>,
      %broadcast_in_dim3A_65 = arith.constant 0.000000e+00 : f32
      %broadcast_in_dim3A_66 = vector.broadcast %broadcast_in_dim3A_65 : f32 to vector<16xf32>
      %swap3A_67 = arith.index_cast %scan3A_31 : i32 to index
      %swap3A_68 = arith.constant 80 : index
      %swap3A_69 = tpu.vector_load %arg8[%swap3A_67, %swap3A_68] {strides = array<i32>} : memref<128x128xf32, #tpu.memory_space<vmem>>, vector<1x16xf32>,
      %swap3A_70 = vector.shape_cast %swap3A_69 : vector<1x16xf32> to vector<16xf32>
      %swap3A_71 = vector.shape_cast %broadcast_in_dim3A_66 : vector<16xf32> to vector<1x16xf32>
      tpu.vector_store %arg8[%swap3A_67, %swap3A_68], %swap3A_71 {strides = array<i32>} : memref<128x128xf32, #tpu.memory_space<vmem>>, vector<1x16xf32>,
      %broadcast_in_dim3A_72 = arith.constant 0.000000e+00 : f32
      %broadcast_in_dim3A_73 = vector.broadcast %broadcast_in_dim3A_72 : f32 to vector<16xf32>
      %swap3A_74 = arith.index_cast %scan3A_31 : i32 to index
      %swap3A_75 = arith.constant 96 : index
      %swap3A_76 = tpu.vector_load %arg8[%swap3A_74, %swap3A_75] {strides = array<i32>} : memref<128x128xf32, #tpu.memory_space<vmem>>, vector<1x16xf32>,
      %swap3A_77 = vector.shape_cast %swap3A_76 : vector<1x16xf32> to vector<16xf32>
      %swap3A_78 = vector.shape_cast %broadcast_in_dim3A_73 : vector<16xf32> to vector<1x16xf32>
      tpu.vector_store %arg8[%swap3A_74, %swap3A_75], %swap3A_78 {strides = array<i32>} : memref<128x128xf32, #tpu.memory_space<vmem>>, vector<1x16xf32>,
      %broadcast_in_dim3A_79 = arith.constant 0.000000e+00 : f32
      %broadcast_in_dim3A_80 = vector.broadcast %broadcast_in_dim3A_79 : f32 to vector<16xf32>
      %swap3A_81 = arith.index_cast %scan3A_31 : i32 to index
      %swap3A_82 = arith.constant 112 : index
      %swap3A_83 = tpu.vector_load %arg8[%swap3A_81, %swap3A_82] {strides = array<i32>} : memref<128x128xf32, #tpu.memory_space<vmem>>, vector<1x16xf32>,
      %swap3A_84 = vector.shape_cast %swap3A_83 : vector<1x16xf32> to vector<16xf32>
      %swap3A_85 = vector.shape_cast %broadcast_in_dim3A_80 : vector<16xf32> to vector<1x16xf32>
      tpu.vector_store %arg8[%swap3A_81, %swap3A_82], %swap3A_85 {strides = array<i32>} : memref<128x128xf32, #tpu.memory_space<vmem>>, vector<1x16xf32>,
    }
    %scan3A_4 = arith.constant 128 : i32
    %mul3A = arith.constant 640 : i32
    %mul3A_5 = arith.muli %arg1, %mul3A : i32
    %add3A = arith.constant 0 : i32
    %add3A_6 = arith.addi %mul3A_5, %add3A : i32
    "tpu.region"() ({
      %run_scoped3A = tpu.sem_alloc : memref<!tpu.dma_semaphore, #tpu.memory_space<semaphore_mem>>
      %dma_start3A = arith.constant 0 : i32
      %dma_start3A_31 = tpu.memref_slice %arg10[%add3A_6, %dma_start3A] : memref<10240x128xf32, #tpu.memory_space<vmem_shared>> -> memref<128x128xf32, #tpu.memory_space<vmem_shared>>
      %dma_start3A_32 = arith.constant 0 : i32
      %dma_start3A_33 = tpu.memref_slice %arg10[%add3A_6, %dma_start3A_32] : memref<10240x128xf32, #tpu.memory_space<vmem_shared>> -> memref<128x128xf32, #tpu.memory_space<vmem_shared>>
      tpu.enqueue_dma source(%arg8 : memref<128x128xf32, #tpu.memory_space<vmem>>) target(%dma_start3A_33 : memref<128x128xf32, #tpu.memory_space<vmem_shared>>) target_semaphore(%run_scoped3A : memref<!tpu.dma_semaphore, #tpu.memory_space<semaphore_mem>>)
      %dma_wait3A = arith.constant 0 : i32
      %dma_wait3A_34 = tpu.memref_slice %arg10[%add3A_6, %dma_wait3A] : memref<10240x128xf32, #tpu.memory_space<vmem_shared>> -> memref<128x128xf32, #tpu.memory_space<vmem_shared>>
      %dma_wait3A_35 = arith.constant 0 : i32
      %dma_wait3A_36 = tpu.memref_slice %arg10[%add3A_6, %dma_wait3A_35] : memref<10240x128xf32, #tpu.memory_space<vmem_shared>> -> memref<128x128xf32, #tpu.memory_space<vmem_shared>>
      tpu.wait_dma2 semaphore(%run_scoped3A : memref<!tpu.dma_semaphore, #tpu.memory_space<semaphore_mem>>) src(%arg8 : memref<128x128xf32, #tpu.memory_space<vmem>>) dst(%dma_wait3A_36 : memref<128x128xf32, #tpu.memory_space<vmem_shared>>)
      tpu.yield
    }) : () -> ()
    %mul3A_7 = arith.constant 640 : i32
    %mul3A_8 = arith.muli %arg1, %mul3A_7 : i32
    %add3A_9 = arith.constant 128 : i32
    %add3A_10 = arith.addi %mul3A_8, %add3A_9 : i32
    "tpu.region"() ({
      %run_scoped3A = tpu.sem_alloc : memref<!tpu.dma_semaphore, #tpu.memory_space<semaphore_mem>>
      %dma_start3A = arith.constant 0 : i32
      %dma_start3A_31 = tpu.memref_slice %arg10[%add3A_10, %dma_start3A] : memref<10240x128xf32, #tpu.memory_space<vmem_shared>> -> memref<128x128xf32, #tpu.memory_space<vmem_shared>>
      %dma_start3A_32 = arith.constant 0 : i32
      %dma_start3A_33 = tpu.memref_slice %arg10[%add3A_10, %dma_start3A_32] : memref<10240x128xf32, #tpu.memory_space<vmem_shared>> -> memref<128x128xf32, #tpu.memory_space<vmem_shared>>
      tpu.enqueue_dma source(%arg8 : memref<128x128xf32, #tpu.memory_space<vmem>>) target(%dma_start3A_33 : memref<128x128xf32, #tpu.memory_space<vmem_shared>>) target_semaphore(%run_scoped3A : memref<!tpu.dma_semaphore, #tpu.memory_space<semaphore_mem>>)
      %dma_wait3A = arith.constant 0 : i32
      %dma_wait3A_34 = tpu.memref_slice %arg10[%add3A_10, %dma_wait3A] : memref<10240x128xf32, #tpu.memory_space<vmem_shared>> -> memref<128x128xf32, #tpu.memory_space<vmem_shared>>
      %dma_wait3A_35 = arith.constant 0 : i32
      %dma_wait3A_36 = tpu.memref_slice %arg10[%add3A_10, %dma_wait3A_35] : memref<10240x128xf32, #tpu.memory_space<vmem_shared>> -> memref<128x128xf32, #tpu.memory_space<vmem_shared>>
      tpu.wait_dma2 semaphore(%run_scoped3A : memref<!tpu.dma_semaphore, #tpu.memory_space<semaphore_mem>>) src(%arg8 : memref<128x128xf32, #tpu.memory_space<vmem>>) dst(%dma_wait3A_36 : memref<128x128xf32, #tpu.memory_space<vmem_shared>>)
      tpu.yield
    }) : () -> ()
    %mul3A_11 = arith.constant 640 : i32
    %mul3A_12 = arith.muli %arg1, %mul3A_11 : i32
    %add3A_13 = arith.constant 256 : i32
    %add3A_14 = arith.addi %mul3A_12, %add3A_13 : i32
    "tpu.region"() ({
      %run_scoped3A = tpu.sem_alloc : memref<!tpu.dma_semaphore, #tpu.memory_space<semaphore_mem>>
      %dma_start3A = arith.constant 0 : i32
      %dma_start3A_31 = tpu.memref_slice %arg10[%add3A_14, %dma_start3A] : memref<10240x128xf32, #tpu.memory_space<vmem_shared>> -> memref<128x128xf32, #tpu.memory_space<vmem_shared>>
      %dma_start3A_32 = arith.constant 0 : i32
      %dma_start3A_33 = tpu.memref_slice %arg10[%add3A_14, %dma_start3A_32] : memref<10240x128xf32, #tpu.memory_space<vmem_shared>> -> memref<128x128xf32, #tpu.memory_space<vmem_shared>>
      tpu.enqueue_dma source(%arg8 : memref<128x128xf32, #tpu.memory_space<vmem>>) target(%dma_start3A_33 : memref<128x128xf32, #tpu.memory_space<vmem_shared>>) target_semaphore(%run_scoped3A : memref<!tpu.dma_semaphore, #tpu.memory_space<semaphore_mem>>)
      %dma_wait3A = arith.constant 0 : i32
      %dma_wait3A_34 = tpu.memref_slice %arg10[%add3A_14, %dma_wait3A] : memref<10240x128xf32, #tpu.memory_space<vmem_shared>> -> memref<128x128xf32, #tpu.memory_space<vmem_shared>>
      %dma_wait3A_35 = arith.constant 0 : i32
      %dma_wait3A_36 = tpu.memref_slice %arg10[%add3A_14, %dma_wait3A_35] : memref<10240x128xf32, #tpu.memory_space<vmem_shared>> -> memref<128x128xf32, #tpu.memory_space<vmem_shared>>
      tpu.wait_dma2 semaphore(%run_scoped3A : memref<!tpu.dma_semaphore, #tpu.memory_space<semaphore_mem>>) src(%arg8 : memref<128x128xf32, #tpu.memory_space<vmem>>) dst(%dma_wait3A_36 : memref<128x128xf32, #tpu.memory_space<vmem_shared>>)
      tpu.yield
    }) : () -> ()
    %mul3A_15 = arith.constant 640 : i32
    %mul3A_16 = arith.muli %arg1, %mul3A_15 : i32
    %add3A_17 = arith.constant 384 : i32
    %add3A_18 = arith.addi %mul3A_16, %add3A_17 : i32
    "tpu.region"() ({
      %run_scoped3A = tpu.sem_alloc : memref<!tpu.dma_semaphore, #tpu.memory_space<semaphore_mem>>
      %dma_start3A = arith.constant 0 : i32
      %dma_start3A_31 = tpu.memref_slice %arg10[%add3A_18, %dma_start3A] : memref<10240x128xf32, #tpu.memory_space<vmem_shared>> -> memref<128x128xf32, #tpu.memory_space<vmem_shared>>
      %dma_start3A_32 = arith.constant 0 : i32
      %dma_start3A_33 = tpu.memref_slice %arg10[%add3A_18, %dma_start3A_32] : memref<10240x128xf32, #tpu.memory_space<vmem_shared>> -> memref<128x128xf32, #tpu.memory_space<vmem_shared>>
      tpu.enqueue_dma source(%arg8 : memref<128x128xf32, #tpu.memory_space<vmem>>) target(%dma_start3A_33 : memref<128x128xf32, #tpu.memory_space<vmem_shared>>) target_semaphore(%run_scoped3A : memref<!tpu.dma_semaphore, #tpu.memory_space<semaphore_mem>>)
      %dma_wait3A = arith.constant 0 : i32
      %dma_wait3A_34 = tpu.memref_slice %arg10[%add3A_18, %dma_wait3A] : memref<10240x128xf32, #tpu.memory_space<vmem_shared>> -> memref<128x128xf32, #tpu.memory_space<vmem_shared>>
      %dma_wait3A_35 = arith.constant 0 : i32
      %dma_wait3A_36 = tpu.memref_slice %arg10[%add3A_18, %dma_wait3A_35] : memref<10240x128xf32, #tpu.memory_space<vmem_shared>> -> memref<128x128xf32, #tpu.memory_space<vmem_shared>>
      tpu.wait_dma2 semaphore(%run_scoped3A : memref<!tpu.dma_semaphore, #tpu.memory_space<semaphore_mem>>) src(%arg8 : memref<128x128xf32, #tpu.memory_space<vmem>>) dst(%dma_wait3A_36 : memref<128x128xf32, #tpu.memory_space<vmem_shared>>)
      tpu.yield
    }) : () -> ()
    %mul3A_19 = arith.constant 640 : i32
    %mul3A_20 = arith.muli %arg1, %mul3A_19 : i32
    %add3A_21 = arith.constant 512 : i32
    %add3A_22 = arith.addi %mul3A_20, %add3A_21 : i32
    "tpu.region"() ({
      %run_scoped3A = tpu.sem_alloc : memref<!tpu.dma_semaphore, #tpu.memory_space<semaphore_mem>>
      %dma_start3A = arith.constant 0 : i32
      %dma_start3A_31 = tpu.memref_slice %arg10[%add3A_22, %dma_start3A] : memref<10240x128xf32, #tpu.memory_space<vmem_shared>> -> memref<128x128xf32, #tpu.memory_space<vmem_shared>>
      %dma_start3A_32 = arith.constant 0 : i32
      %dma_start3A_33 = tpu.memref_slice %arg10[%add3A_22, %dma_start3A_32] : memref<10240x128xf32, #tpu.memory_space<vmem_shared>> -> memref<128x128xf32, #tpu.memory_space<vmem_shared>>
      tpu.enqueue_dma source(%arg8 : memref<128x128xf32, #tpu.memory_space<vmem>>) target(%dma_start3A_33 : memref<128x128xf32, #tpu.memory_space<vmem_shared>>) target_semaphore(%run_scoped3A : memref<!tpu.dma_semaphore, #tpu.memory_space<semaphore_mem>>)
      %dma_wait3A = arith.constant 0 : i32
      %dma_wait3A_34 = tpu.memref_slice %arg10[%add3A_22, %dma_wait3A] : memref<10240x128xf32, #tpu.memory_space<vmem_shared>> -> memref<128x128xf32, #tpu.memory_space<vmem_shared>>
      %dma_wait3A_35 = arith.constant 0 : i32
      %dma_wait3A_36 = tpu.memref_slice %arg10[%add3A_22, %dma_wait3A_35] : memref<10240x128xf32, #tpu.memory_space<vmem_shared>> -> memref<128x128xf32, #tpu.memory_space<vmem_shared>>
      tpu.wait_dma2 semaphore(%run_scoped3A : memref<!tpu.dma_semaphore, #tpu.memory_space<semaphore_mem>>) src(%arg8 : memref<128x128xf32, #tpu.memory_space<vmem>>) dst(%dma_wait3A_36 : memref<128x128xf32, #tpu.memory_space<vmem_shared>>)
      tpu.yield
    }) : () -> ()
    %barrier3A = arith.constant 0 : index
    tpu.barrier barrier_id(%barrier3A)
    %eq3A = arith.constant 0 : i32
    %eq3A_23 = arith.cmpi eq, %arg0, %eq3A : i32
    %convert_element_type3A = arith.extui %eq3A_23 : i1 to i32
    %cond3A = arith.constant 0 : i32
    %cond3A_24 = arith.cmpi ne, %convert_element_type3A, %cond3A : i32
    scf.if %cond3A_24 {
      %mul3A_31 = arith.constant 4 : i32
      %mul3A_32 = arith.muli %mul3A_31, %arg1 : i32
      %scan3A_33 = arith.constant 0 : i32
      %scan3A_34 = arith.constant 4 : i32
      %scan3A_35 = arith.addi %scan3A_33, %scan3A_34 : i32
      %scan3A_36 = arith.constant 1 : i32
      scf.for %scan3A_38 = %scan3A_33 to %scan3A_35 step %scan3A_36  : i32 {
        %add3A_39 = arith.addi %mul3A_32, %scan3A_38 : i32
        "tpu.region"() ({
          %run_scoped3A = tpu.sem_alloc : memref<!tpu.dma_semaphore, #tpu.memory_space<semaphore_mem>>
          %dma_start3A_59 = arith.constant 0 : i32
          %dma_start3A_60 = arith.constant 0 : i32
          %dma_start3A_61 = tpu.memref_slice %arg3[%add3A_39, %dma_start3A_59, %dma_start3A_60] : memref<64x40x128xi32, #tpu.memory_space<hbm>> -> memref<1x40x128xi32, #tpu.memory_space<hbm>>
          %dma_start3A_62 = tpu.memref_squeeze %dma_start3A_61 : memref<1x40x128xi32, #tpu.memory_space<hbm>> -> memref<40x128xi32, #tpu.memory_space<hbm>>
          %dma_start3A_63 = arith.constant 0 : i32
          %dma_start3A_64 = arith.constant 0 : i32
          %dma_start3A_65 = tpu.memref_slice %arg3[%add3A_39, %dma_start3A_63, %dma_start3A_64] : memref<64x40x128xi32, #tpu.memory_space<hbm>> -> memref<1x40x128xi32, #tpu.memory_space<hbm>>
          %dma_start3A_66 = tpu.memref_squeeze %dma_start3A_65 : memref<1x40x128xi32, #tpu.memory_space<hbm>> -> memref<40x128xi32, #tpu.memory_space<hbm>>
          tpu.enqueue_dma source(%dma_start3A_66 : memref<40x128xi32, #tpu.memory_space<hbm>>) target(%arg6 : memref<40x128xi32, #tpu.memory_space<vmem>>) target_semaphore(%run_scoped3A : memref<!tpu.dma_semaphore, #tpu.memory_space<semaphore_mem>>)
          %dma_wait3A = arith.constant 0 : i32
          %dma_wait3A_67 = arith.constant 0 : i32
          %dma_wait3A_68 = tpu.memref_slice %arg3[%add3A_39, %dma_wait3A, %dma_wait3A_67] : memref<64x40x128xi32, #tpu.memory_space<hbm>> -> memref<1x40x128xi32, #tpu.memory_space<hbm>>
          %dma_wait3A_69 = tpu.memref_squeeze %dma_wait3A_68 : memref<1x40x128xi32, #tpu.memory_space<hbm>> -> memref<40x128xi32, #tpu.memory_space<hbm>>
          %dma_wait3A_70 = arith.constant 0 : i32
          %dma_wait3A_71 = arith.constant 0 : i32
          %dma_wait3A_72 = tpu.memref_slice %arg3[%add3A_39, %dma_wait3A_70, %dma_wait3A_71] : memref<64x40x128xi32, #tpu.memory_space<hbm>> -> memref<1x40x128xi32, #tpu.memory_space<hbm>>
          %dma_wait3A_73 = tpu.memref_squeeze %dma_wait3A_72 : memref<1x40x128xi32, #tpu.memory_space<hbm>> -> memref<40x128xi32, #tpu.memory_space<hbm>>
          tpu.wait_dma2 semaphore(%run_scoped3A : memref<!tpu.dma_semaphore, #tpu.memory_space<semaphore_mem>>) src(%dma_wait3A_73 : memref<40x128xi32, #tpu.memory_space<hbm>>) dst(%arg6 : memref<40x128xi32, #tpu.memory_space<vmem>>)
          tpu.yield
        }) : () -> ()
        "tpu.region"() ({
          %run_scoped3A = tpu.sem_alloc : memref<!tpu.dma_semaphore, #tpu.memory_space<semaphore_mem>>
          %dma_start3A_59 = arith.constant 0 : i32
          %dma_start3A_60 = arith.constant 0 : i32
          %dma_start3A_61 = tpu.memref_slice %arg4[%add3A_39, %dma_start3A_59, %dma_start3A_60] : memref<64x40x128xi32, #tpu.memory_space<hbm>> -> memref<1x40x128xi32, #tpu.memory_space<hbm>>
          %dma_start3A_62 = tpu.memref_squeeze %dma_start3A_61 : memref<1x40x128xi32, #tpu.memory_space<hbm>> -> memref<40x128xi32, #tpu.memory_space<hbm>>
          %dma_start3A_63 = arith.constant 0 : i32
          %dma_start3A_64 = arith.constant 0 : i32
          %dma_start3A_65 = tpu.memref_slice %arg4[%add3A_39, %dma_start3A_63, %dma_start3A_64] : memref<64x40x128xi32, #tpu.memory_space<hbm>> -> memref<1x40x128xi32, #tpu.memory_space<hbm>>
          %dma_start3A_66 = tpu.memref_squeeze %dma_start3A_65 : memref<1x40x128xi32, #tpu.memory_space<hbm>> -> memref<40x128xi32, #tpu.memory_space<hbm>>
          tpu.enqueue_dma source(%dma_start3A_66 : memref<40x128xi32, #tpu.memory_space<hbm>>) target(%arg7 : memref<40x128xi32, #tpu.memory_space<vmem>>) target_semaphore(%run_scoped3A : memref<!tpu.dma_semaphore, #tpu.memory_space<semaphore_mem>>)
          %dma_wait3A = arith.constant 0 : i32
          %dma_wait3A_67 = arith.constant 0 : i32
          %dma_wait3A_68 = tpu.memref_slice %arg4[%add3A_39, %dma_wait3A, %dma_wait3A_67] : memref<64x40x128xi32, #tpu.memory_space<hbm>> -> memref<1x40x128xi32, #tpu.memory_space<hbm>>
          %dma_wait3A_69 = tpu.memref_squeeze %dma_wait3A_68 : memref<1x40x128xi32, #tpu.memory_space<hbm>> -> memref<40x128xi32, #tpu.memory_space<hbm>>
          %dma_wait3A_70 = arith.constant 0 : i32
          %dma_wait3A_71 = arith.constant 0 : i32
          %dma_wait3A_72 = tpu.memref_slice %arg4[%add3A_39, %dma_wait3A_70, %dma_wait3A_71] : memref<64x40x128xi32, #tpu.memory_space<hbm>> -> memref<1x40x128xi32, #tpu.memory_space<hbm>>
          %dma_wait3A_73 = tpu.memref_squeeze %dma_wait3A_72 : memref<1x40x128xi32, #tpu.memory_space<hbm>> -> memref<40x128xi32, #tpu.memory_space<hbm>>
          tpu.wait_dma2 semaphore(%run_scoped3A : memref<!tpu.dma_semaphore, #tpu.memory_space<semaphore_mem>>) src(%dma_wait3A_73 : memref<40x128xi32, #tpu.memory_space<hbm>>) dst(%arg7 : memref<40x128xi32, #tpu.memory_space<vmem>>)
          tpu.yield
        }) : () -> ()
        %dma_start3A = arith.constant 0 : i32
        %dma_start3A_40 = arith.constant 0 : i32
        %dma_start3A_41 = tpu.memref_slice %arg6[%dma_start3A, %dma_start3A_40] : memref<40x128xi32, #tpu.memory_space<vmem>> -> memref<1x128xi32, #tpu.memory_space<vmem>>
        %dma_start3A_42 = tpu.memref_squeeze %dma_start3A_41 : memref<1x128xi32, #tpu.memory_space<vmem>> -> memref<128xi32, #tpu.memory_space<vmem>>
        %dma_start3A_43 = arith.constant 0 : i32
        %dma_start3A_44 = arith.constant 0 : i32
        %dma_start3A_45 = tpu.memref_slice %arg2[%dma_start3A_43, %dma_start3A_44] : memref<10000x128xf32, #tpu.memory_space<hbm>> -> memref<10000x128xf32, #tpu.memory_space<hbm>>
        tpu.enqueue_indirect_dma source(%dma_start3A_45 : memref<10000x128xf32, #tpu.memory_space<hbm>>) target(%arg8 : memref<128x128xf32, #tpu.memory_space<vmem>>) offsets(%dma_start3A_42 : memref<128xi32, #tpu.memory_space<vmem>>) semaphore(%arg11 : memref<!tpu.dma_semaphore, #tpu.memory_space<semaphore_mem>>)
        %dma_start3A_46 = arith.constant 1 : i32
        %dma_start3A_47 = arith.constant 0 : i32
        %dma_start3A_48 = tpu.memref_slice %arg6[%dma_start3A_46, %dma_start3A_47] : memref<40x128xi32, #tpu.memory_space<vmem>> -> memref<1x128xi32, #tpu.memory_space<vmem>>
        %dma_start3A_49 = tpu.memref_squeeze %dma_start3A_48 : memref<1x128xi32, #tpu.memory_space<vmem>> -> memref<128xi32, #tpu.memory_space<vmem>>
        %dma_start3A_50 = arith.constant 0 : i32
        %dma_start3A_51 = arith.constant 0 : i32
        %dma_start3A_52 = tpu.memref_slice %arg2[%dma_start3A_50, %dma_start3A_51] : memref<10000x128xf32, #tpu.memory_space<hbm>> -> memref<10000x128xf32, #tpu.memory_space<hbm>>
        tpu.enqueue_indirect_dma source(%dma_start3A_52 : memref<10000x128xf32, #tpu.memory_space<hbm>>) target(%arg9 : memref<128x128xf32, #tpu.memory_space<vmem>>) offsets(%dma_start3A_49 : memref<128xi32, #tpu.memory_space<vmem>>) semaphore(%arg12 : memref<!tpu.dma_semaphore, #tpu.memory_space<semaphore_mem>>)
        %scan3A_53 = arith.constant 0 : i32
        %scan3A_54 = arith.constant 0 : i32
        %scan3A_55 = arith.constant 20 : i32
        %scan3A_56 = arith.addi %scan3A_54, %scan3A_55 : i32
        %scan3A_57 = arith.constant 1 : i32
        scf.for %scan3A_59 = %scan3A_54 to %scan3A_56 step %scan3A_57  : i32 {
          %mul3A_60 = arith.constant 2 : i32
          %mul3A_61 = arith.muli %scan3A_59, %mul3A_60 : i32
          %add3A_62 = arith.constant 0 : i32
          %add3A_63 = arith.addi %mul3A_61, %add3A_62 : i32
          %dma_wait3A = arith.constant 0 : i32
          %dma_wait3A_64 = tpu.memref_slice %arg6[%add3A_63, %dma_wait3A] : memref<40x128xi32, #tpu.memory_space<vmem>> -> memref<1x128xi32, #tpu.memory_space<vmem>>
          %dma_wait3A_65 = tpu.memref_squeeze %dma_wait3A_64 : memref<1x128xi32, #tpu.memory_space<vmem>> -> memref<128xi32, #tpu.memory_space<vmem>>
          %dma_wait3A_66 = arith.constant 0 : i32
          %dma_wait3A_67 = arith.constant 0 : i32
          %dma_wait3A_68 = tpu.memref_slice %arg2[%dma_wait3A_66, %dma_wait3A_67] : memref<10000x128xf32, #tpu.memory_space<hbm>> -> memref<10000x128xf32, #tpu.memory_space<hbm>>
          tpu.wait_indirect_dma semaphore(%arg11 : memref<!tpu.dma_semaphore, #tpu.memory_space<semaphore_mem>>) src(%dma_wait3A_68 : memref<10000x128xf32, #tpu.memory_space<hbm>>) dst(%arg8 : memref<128x128xf32, #tpu.memory_space<vmem>>)
          "tpu.region"() ({
            %run_scoped3A = tpu.sem_alloc : memref<!tpu.dma_semaphore, #tpu.memory_space<semaphore_mem>>
            %dma_start3A_92 = arith.constant 0 : i32
            %dma_start3A_93 = tpu.memref_slice %arg7[%add3A_63, %dma_start3A_92] : memref<40x128xi32, #tpu.memory_space<vmem>> -> memref<1x128xi32, #tpu.memory_space<vmem>>
            %dma_start3A_94 = tpu.memref_squeeze %dma_start3A_93 : memref<1x128xi32, #tpu.memory_space<vmem>> -> memref<128xi32, #tpu.memory_space<vmem>>
            %dma_start3A_95 = arith.constant 0 : i32
            %dma_start3A_96 = arith.constant 0 : i32
            %dma_start3A_97 = tpu.memref_slice %arg10[%dma_start3A_95, %dma_start3A_96] : memref<10240x128xf32, #tpu.memory_space<vmem_shared>> -> memref<10240x128xf32, #tpu.memory_space<vmem_shared>>
            tpu.enqueue_indirect_dma source(%arg8 : memref<128x128xf32, #tpu.memory_space<vmem>>) target(%dma_start3A_97 : memref<10240x128xf32, #tpu.memory_space<vmem_shared>>) offsets(%dma_start3A_94 : memref<128xi32, #tpu.memory_space<vmem>>) semaphore(%run_scoped3A : memref<!tpu.dma_semaphore, #tpu.memory_space<semaphore_mem>>) {add = true}
            %dma_wait3A_98 = arith.constant 0 : i32
            %dma_wait3A_99 = tpu.memref_slice %arg7[%add3A_63, %dma_wait3A_98] : memref<40x128xi32, #tpu.memory_space<vmem>> -> memref<1x128xi32, #tpu.memory_space<vmem>>
            %dma_wait3A_100 = tpu.memref_squeeze %dma_wait3A_99 : memref<1x128xi32, #tpu.memory_space<vmem>> -> memref<128xi32, #tpu.memory_space<vmem>>
            %dma_wait3A_101 = arith.constant 0 : i32
            %dma_wait3A_102 = arith.constant 0 : i32
            %dma_wait3A_103 = tpu.memref_slice %arg10[%dma_wait3A_101, %dma_wait3A_102] : memref<10240x128xf32, #tpu.memory_space<vmem_shared>> -> memref<10240x128xf32, #tpu.memory_space<vmem_shared>>
            tpu.wait_indirect_dma semaphore(%run_scoped3A : memref<!tpu.dma_semaphore, #tpu.memory_space<semaphore_mem>>) src(%arg8 : memref<128x128xf32, #tpu.memory_space<vmem>>) dst(%dma_wait3A_103 : memref<10240x128xf32, #tpu.memory_space<vmem_shared>>)
            tpu.yield
          }) : () -> ()
          %add3A_69 = arith.constant 2 : i32
          %add3A_70 = arith.addi %add3A_63, %add3A_69 : i32
          %lt3A = arith.constant 40 : i32
          %lt3A_71 = arith.cmpi slt, %add3A_70, %lt3A : i32
          %convert_element_type3A_72 = arith.extui %lt3A_71 : i1 to i32
          %cond3A_73 = arith.constant 0 : i32
          %cond3A_74 = arith.cmpi ne, %convert_element_type3A_72, %cond3A_73 : i32
          scf.if %cond3A_74 {
            %dma_start3A_92 = arith.constant 0 : i32
            %dma_start3A_93 = tpu.memref_slice %arg6[%add3A_70, %dma_start3A_92] : memref<40x128xi32, #tpu.memory_space<vmem>> -> memref<1x128xi32, #tpu.memory_space<vmem>>
            %dma_start3A_94 = tpu.memref_squeeze %dma_start3A_93 : memref<1x128xi32, #tpu.memory_space<vmem>> -> memref<128xi32, #tpu.memory_space<vmem>>
            %dma_start3A_95 = arith.constant 0 : i32
            %dma_start3A_96 = arith.constant 0 : i32
            %dma_start3A_97 = tpu.memref_slice %arg2[%dma_start3A_95, %dma_start3A_96] : memref<10000x128xf32, #tpu.memory_space<hbm>> -> memref<10000x128xf32, #tpu.memory_space<hbm>>
            tpu.enqueue_indirect_dma source(%dma_start3A_97 : memref<10000x128xf32, #tpu.memory_space<hbm>>) target(%arg8 : memref<128x128xf32, #tpu.memory_space<vmem>>) offsets(%dma_start3A_94 : memref<128xi32, #tpu.memory_space<vmem>>) semaphore(%arg11 : memref<!tpu.dma_semaphore, #tpu.memory_space<semaphore_mem>>)
          } else {
          }
          %mul3A_75 = arith.constant 2 : i32
          %mul3A_76 = arith.muli %scan3A_59, %mul3A_75 : i32
          %add3A_77 = arith.constant 1 : i32
          %add3A_78 = arith.addi %mul3A_76, %add3A_77 : i32
          %dma_wait3A_79 = arith.constant 0 : i32
          %dma_wait3A_80 = tpu.memref_slice %arg6[%add3A_78, %dma_wait3A_79] : memref<40x128xi32, #tpu.memory_space<vmem>> -> memref<1x128xi32, #tpu.memory_space<vmem>>
          %dma_wait3A_81 = tpu.memref_squeeze %dma_wait3A_80 : memref<1x128xi32, #tpu.memory_space<vmem>> -> memref<128xi32, #tpu.memory_space<vmem>>
          %dma_wait3A_82 = arith.constant 0 : i32
          %dma_wait3A_83 = arith.constant 0 : i32
          %dma_wait3A_84 = tpu.memref_slice %arg2[%dma_wait3A_82, %dma_wait3A_83] : memref<10000x128xf32, #tpu.memory_space<hbm>> -> memref<10000x128xf32, #tpu.memory_space<hbm>>
          tpu.wait_indirect_dma semaphore(%arg12 : memref<!tpu.dma_semaphore, #tpu.memory_space<semaphore_mem>>) src(%dma_wait3A_84 : memref<10000x128xf32, #tpu.memory_space<hbm>>) dst(%arg9 : memref<128x128xf32, #tpu.memory_space<vmem>>)
          "tpu.region"() ({
            %run_scoped3A = tpu.sem_alloc : memref<!tpu.dma_semaphore, #tpu.memory_space<semaphore_mem>>
            %dma_start3A_92 = arith.constant 0 : i32
            %dma_start3A_93 = tpu.memref_slice %arg7[%add3A_78, %dma_start3A_92] : memref<40x128xi32, #tpu.memory_space<vmem>> -> memref<1x128xi32, #tpu.memory_space<vmem>>
            %dma_start3A_94 = tpu.memref_squeeze %dma_start3A_93 : memref<1x128xi32, #tpu.memory_space<vmem>> -> memref<128xi32, #tpu.memory_space<vmem>>
            %dma_start3A_95 = arith.constant 0 : i32
            %dma_start3A_96 = arith.constant 0 : i32
            %dma_start3A_97 = tpu.memref_slice %arg10[%dma_start3A_95, %dma_start3A_96] : memref<10240x128xf32, #tpu.memory_space<vmem_shared>> -> memref<10240x128xf32, #tpu.memory_space<vmem_shared>>
            tpu.enqueue_indirect_dma source(%arg9 : memref<128x128xf32, #tpu.memory_space<vmem>>) target(%dma_start3A_97 : memref<10240x128xf32, #tpu.memory_space<vmem_shared>>) offsets(%dma_start3A_94 : memref<128xi32, #tpu.memory_space<vmem>>) semaphore(%run_scoped3A : memref<!tpu.dma_semaphore, #tpu.memory_space<semaphore_mem>>) {add = true}
            %dma_wait3A_98 = arith.constant 0 : i32
            %dma_wait3A_99 = tpu.memref_slice %arg7[%add3A_78, %dma_wait3A_98] : memref<40x128xi32, #tpu.memory_space<vmem>> -> memref<1x128xi32, #tpu.memory_space<vmem>>
            %dma_wait3A_100 = tpu.memref_squeeze %dma_wait3A_99 : memref<1x128xi32, #tpu.memory_space<vmem>> -> memref<128xi32, #tpu.memory_space<vmem>>
            %dma_wait3A_101 = arith.constant 0 : i32
            %dma_wait3A_102 = arith.constant 0 : i32
            %dma_wait3A_103 = tpu.memref_slice %arg10[%dma_wait3A_101, %dma_wait3A_102] : memref<10240x128xf32, #tpu.memory_space<vmem_shared>> -> memref<10240x128xf32, #tpu.memory_space<vmem_shared>>
            tpu.wait_indirect_dma semaphore(%run_scoped3A : memref<!tpu.dma_semaphore, #tpu.memory_space<semaphore_mem>>) src(%arg9 : memref<128x128xf32, #tpu.memory_space<vmem>>) dst(%dma_wait3A_103 : memref<10240x128xf32, #tpu.memory_space<vmem_shared>>)
            tpu.yield
          }) : () -> ()
          %add3A_85 = arith.constant 2 : i32
          %add3A_86 = arith.addi %add3A_78, %add3A_85 : i32
          %lt3A_87 = arith.constant 40 : i32
          %lt3A_88 = arith.cmpi slt, %add3A_86, %lt3A_87 : i32
          %convert_element_type3A_89 = arith.extui %lt3A_88 : i1 to i32
          %cond3A_90 = arith.constant 0 : i32
          %cond3A_91 = arith.cmpi ne, %convert_element_type3A_89, %cond3A_90 : i32
          scf.if %cond3A_91 {
            %dma_start3A_92 = arith.constant 0 : i32
            %dma_start3A_93 = tpu.memref_slice %arg6[%add3A_86, %dma_start3A_92] : memref<40x128xi32, #tpu.memory_space<vmem>> -> memref<1x128xi32, #tpu.memory_space<vmem>>
            %dma_start3A_94 = tpu.memref_squeeze %dma_start3A_93 : memref<1x128xi32, #tpu.memory_space<vmem>> -> memref<128xi32, #tpu.memory_space<vmem>>
            %dma_start3A_95 = arith.constant 0 : i32
            %dma_start3A_96 = arith.constant 0 : i32
            %dma_start3A_97 = tpu.memref_slice %arg2[%dma_start3A_95, %dma_start3A_96] : memref<10000x128xf32, #tpu.memory_space<hbm>> -> memref<10000x128xf32, #tpu.memory_space<hbm>>
            tpu.enqueue_indirect_dma source(%dma_start3A_97 : memref<10000x128xf32, #tpu.memory_space<hbm>>) target(%arg9 : memref<128x128xf32, #tpu.memory_space<vmem>>) offsets(%dma_start3A_94 : memref<128xi32, #tpu.memory_space<vmem>>) semaphore(%arg12 : memref<!tpu.dma_semaphore, #tpu.memory_space<semaphore_mem>>)
          } else {
          }
        }
        %scan3A_58 = arith.constant 20 : i32
      }
      %scan3A_37 = arith.constant 4 : i32
    } else {
    }
    %barrier3A_25 = arith.constant 0 : index
    tpu.barrier barrier_id(%barrier3A_25)
    %eq3A_26 = arith.constant 0 : i32
    %eq3A_27 = arith.cmpi eq, %arg0, %eq3A_26 : i32
    %convert_element_type3A_28 = arith.extui %eq3A_27 : i1 to i32
    %cond3A_29 = arith.constant 0 : i32
    %cond3A_30 = arith.cmpi ne, %convert_element_type3A_28, %cond3A_29 : i32
    scf.if %cond3A_30 {
      %mul3A_31 = arith.constant 640 : i32
      %mul3A_32 = arith.muli %arg1, %mul3A_31 : i32
      %mul3A_33 = arith.constant 640 : i32
      %mul3A_34 = arith.muli %arg1, %mul3A_33 : i32
      "tpu.region"() ({
        %run_scoped3A = tpu.sem_alloc : memref<!tpu.dma_semaphore, #tpu.memory_space<semaphore_mem>>
        %dma_start3A = arith.constant 0 : i32
        %dma_start3A_35 = tpu.memref_slice %arg5[%mul3A_34, %dma_start3A] : memref<10240x128xf32, #tpu.memory_space<hbm>> -> memref<640x128xf32, #tpu.memory_space<hbm>>
        %dma_start3A_36 = arith.constant 0 : i32
        %dma_start3A_37 = tpu.memref_slice %arg10[%mul3A_32, %dma_start3A_36] : memref<10240x128xf32, #tpu.memory_space<vmem_shared>> -> memref<640x128xf32, #tpu.memory_space<vmem_shared>>
        tpu.enqueue_dma source(%dma_start3A_37 : memref<640x128xf32, #tpu.memory_space<vmem_shared>>) target(%dma_start3A_35 : memref<640x128xf32, #tpu.memory_space<hbm>>) target_semaphore(%run_scoped3A : memref<!tpu.dma_semaphore, #tpu.memory_space<semaphore_mem>>)
        %dma_wait3A = arith.constant 0 : i32
        %dma_wait3A_38 = tpu.memref_slice %arg5[%mul3A_34, %dma_wait3A] : memref<10240x128xf32, #tpu.memory_space<hbm>> -> memref<640x128xf32, #tpu.memory_space<hbm>>
        %dma_wait3A_39 = arith.constant 0 : i32
        %dma_wait3A_40 = tpu.memref_slice %arg10[%mul3A_32, %dma_wait3A_39] : memref<10240x128xf32, #tpu.memory_space<vmem_shared>> -> memref<640x128xf32, #tpu.memory_space<vmem_shared>>
        tpu.wait_dma2 semaphore(%run_scoped3A : memref<!tpu.dma_semaphore, #tpu.memory_space<semaphore_mem>>) src(%dma_wait3A_40 : memref<640x128xf32, #tpu.memory_space<vmem_shared>>) dst(%dma_wait3A_38 : memref<640x128xf32, #tpu.memory_space<hbm>>)
        tpu.yield
      }) : () -> ()
    } else {
    }
    return
  }
}

#map = affine_map<(d0, d1) -> (0, 0, 0)>
module attributes {stable_mosaic.version = 14 : i64} {
  func.func @_sc_degree(%arg0: i32, %arg1: i32, %arg2: memref<64x40x128xi32, #tpu.memory_space<hbm>>, %arg3: memref<2x10240x16xf32, #tpu.memory_space<hbm>>, %arg4: memref<40x128xi32, #tpu.memory_space<vmem>>, %arg5: memref<128x16xf32, #tpu.memory_space<vmem>>, %arg6: memref<128x16xf32, #tpu.memory_space<vmem>>, %arg7: memref<10240x16xf32, #tpu.memory_space<vmem_shared>>) attributes {dimension_semantics = [#tpu.dimension_semantics<core_parallel>, #tpu.dimension_semantics<subcore_parallel>], iteration_bounds = array<i64: 2, 16>, scalar_prefetch = 0 : i64, scratch_operands = 4 : i64, tpu.core_type = #tpu.core_type<sc_vector_subcore>, window_params = [{transform_indices = #map}, {transform_indices = #map}]} {
    %mul3A = arith.constant 2 : i32
    %mul3A_0 = arith.muli %arg1, %mul3A : i32
    %add3A = arith.addi %mul3A_0, %arg0 : i32
    %scan3A = arith.constant 0 : i32
    %scan3A_1 = arith.constant 0 : i32
    %scan3A_2 = arith.constant 128 : i32
    %scan3A_3 = arith.addi %scan3A_1, %scan3A_2 : i32
    %scan3A_4 = arith.constant 1 : i32
    scf.for %scan3A_51 = %scan3A_1 to %scan3A_3 step %scan3A_4  : i32 {
      %broadcast_in_dim3A = arith.constant 1.000000e+00 : f32
      %broadcast_in_dim3A_52 = vector.broadcast %broadcast_in_dim3A : f32 to vector<16xf32>
      %swap3A = arith.index_cast %scan3A_51 : i32 to index
      %swap3A_53 = arith.constant 0 : index
      %swap3A_54 = tpu.vector_load %arg5[%swap3A, %swap3A_53] {strides = array<i32>} : memref<128x16xf32, #tpu.memory_space<vmem>>, vector<1x16xf32>,
      %swap3A_55 = vector.shape_cast %swap3A_54 : vector<1x16xf32> to vector<16xf32>
      %swap3A_56 = vector.shape_cast %broadcast_in_dim3A_52 : vector<16xf32> to vector<1x16xf32>
      tpu.vector_store %arg5[%swap3A, %swap3A_53], %swap3A_56 {strides = array<i32>} : memref<128x16xf32, #tpu.memory_space<vmem>>, vector<1x16xf32>,
      %broadcast_in_dim3A_57 = arith.constant 0.000000e+00 : f32
      %broadcast_in_dim3A_58 = vector.broadcast %broadcast_in_dim3A_57 : f32 to vector<16xf32>
      %swap3A_59 = arith.index_cast %scan3A_51 : i32 to index
      %swap3A_60 = arith.constant 0 : index
      %swap3A_61 = tpu.vector_load %arg6[%swap3A_59, %swap3A_60] {strides = array<i32>} : memref<128x16xf32, #tpu.memory_space<vmem>>, vector<1x16xf32>,
      %swap3A_62 = vector.shape_cast %swap3A_61 : vector<1x16xf32> to vector<16xf32>
      %swap3A_63 = vector.shape_cast %broadcast_in_dim3A_58 : vector<16xf32> to vector<1x16xf32>
      tpu.vector_store %arg6[%swap3A_59, %swap3A_60], %swap3A_63 {strides = array<i32>} : memref<128x16xf32, #tpu.memory_space<vmem>>, vector<1x16xf32>,
    }
    %scan3A_5 = arith.constant 128 : i32
    %mul3A_6 = arith.constant 640 : i32
    %mul3A_7 = arith.muli %arg1, %mul3A_6 : i32
    %add3A_8 = arith.constant 0 : i32
    %add3A_9 = arith.addi %mul3A_7, %add3A_8 : i32
    "tpu.region"() ({
      %run_scoped3A = tpu.sem_alloc : memref<!tpu.dma_semaphore, #tpu.memory_space<semaphore_mem>>
      %dma_start3A = arith.constant 0 : i32
      %dma_start3A_51 = tpu.memref_slice %arg7[%add3A_9, %dma_start3A] : memref<10240x16xf32, #tpu.memory_space<vmem_shared>> -> memref<128x16xf32, #tpu.memory_space<vmem_shared>>
      %dma_start3A_52 = arith.constant 0 : i32
      %dma_start3A_53 = tpu.memref_slice %arg7[%add3A_9, %dma_start3A_52] : memref<10240x16xf32, #tpu.memory_space<vmem_shared>> -> memref<128x16xf32, #tpu.memory_space<vmem_shared>>
      tpu.enqueue_dma source(%arg6 : memref<128x16xf32, #tpu.memory_space<vmem>>) target(%dma_start3A_53 : memref<128x16xf32, #tpu.memory_space<vmem_shared>>) target_semaphore(%run_scoped3A : memref<!tpu.dma_semaphore, #tpu.memory_space<semaphore_mem>>)
      %dma_wait3A = arith.constant 0 : i32
      %dma_wait3A_54 = tpu.memref_slice %arg7[%add3A_9, %dma_wait3A] : memref<10240x16xf32, #tpu.memory_space<vmem_shared>> -> memref<128x16xf32, #tpu.memory_space<vmem_shared>>
      %dma_wait3A_55 = arith.constant 0 : i32
      %dma_wait3A_56 = tpu.memref_slice %arg7[%add3A_9, %dma_wait3A_55] : memref<10240x16xf32, #tpu.memory_space<vmem_shared>> -> memref<128x16xf32, #tpu.memory_space<vmem_shared>>
      tpu.wait_dma2 semaphore(%run_scoped3A : memref<!tpu.dma_semaphore, #tpu.memory_space<semaphore_mem>>) src(%arg6 : memref<128x16xf32, #tpu.memory_space<vmem>>) dst(%dma_wait3A_56 : memref<128x16xf32, #tpu.memory_space<vmem_shared>>)
      tpu.yield
    }) : () -> ()
    %mul3A_10 = arith.constant 640 : i32
    %mul3A_11 = arith.muli %arg1, %mul3A_10 : i32
    %add3A_12 = arith.constant 128 : i32
    %add3A_13 = arith.addi %mul3A_11, %add3A_12 : i32
    "tpu.region"() ({
      %run_scoped3A = tpu.sem_alloc : memref<!tpu.dma_semaphore, #tpu.memory_space<semaphore_mem>>
      %dma_start3A = arith.constant 0 : i32
      %dma_start3A_51 = tpu.memref_slice %arg7[%add3A_13, %dma_start3A] : memref<10240x16xf32, #tpu.memory_space<vmem_shared>> -> memref<128x16xf32, #tpu.memory_space<vmem_shared>>
      %dma_start3A_52 = arith.constant 0 : i32
      %dma_start3A_53 = tpu.memref_slice %arg7[%add3A_13, %dma_start3A_52] : memref<10240x16xf32, #tpu.memory_space<vmem_shared>> -> memref<128x16xf32, #tpu.memory_space<vmem_shared>>
      tpu.enqueue_dma source(%arg6 : memref<128x16xf32, #tpu.memory_space<vmem>>) target(%dma_start3A_53 : memref<128x16xf32, #tpu.memory_space<vmem_shared>>) target_semaphore(%run_scoped3A : memref<!tpu.dma_semaphore, #tpu.memory_space<semaphore_mem>>)
      %dma_wait3A = arith.constant 0 : i32
      %dma_wait3A_54 = tpu.memref_slice %arg7[%add3A_13, %dma_wait3A] : memref<10240x16xf32, #tpu.memory_space<vmem_shared>> -> memref<128x16xf32, #tpu.memory_space<vmem_shared>>
      %dma_wait3A_55 = arith.constant 0 : i32
      %dma_wait3A_56 = tpu.memref_slice %arg7[%add3A_13, %dma_wait3A_55] : memref<10240x16xf32, #tpu.memory_space<vmem_shared>> -> memref<128x16xf32, #tpu.memory_space<vmem_shared>>
      tpu.wait_dma2 semaphore(%run_scoped3A : memref<!tpu.dma_semaphore, #tpu.memory_space<semaphore_mem>>) src(%arg6 : memref<128x16xf32, #tpu.memory_space<vmem>>) dst(%dma_wait3A_56 : memref<128x16xf32, #tpu.memory_space<vmem_shared>>)
      tpu.yield
    }) : () -> ()
    %mul3A_14 = arith.constant 640 : i32
    %mul3A_15 = arith.muli %arg1, %mul3A_14 : i32
    %add3A_16 = arith.constant 256 : i32
    %add3A_17 = arith.addi %mul3A_15, %add3A_16 : i32
    "tpu.region"() ({
      %run_scoped3A = tpu.sem_alloc : memref<!tpu.dma_semaphore, #tpu.memory_space<semaphore_mem>>
      %dma_start3A = arith.constant 0 : i32
      %dma_start3A_51 = tpu.memref_slice %arg7[%add3A_17, %dma_start3A] : memref<10240x16xf32, #tpu.memory_space<vmem_shared>> -> memref<128x16xf32, #tpu.memory_space<vmem_shared>>
      %dma_start3A_52 = arith.constant 0 : i32
      %dma_start3A_53 = tpu.memref_slice %arg7[%add3A_17, %dma_start3A_52] : memref<10240x16xf32, #tpu.memory_space<vmem_shared>> -> memref<128x16xf32, #tpu.memory_space<vmem_shared>>
      tpu.enqueue_dma source(%arg6 : memref<128x16xf32, #tpu.memory_space<vmem>>) target(%dma_start3A_53 : memref<128x16xf32, #tpu.memory_space<vmem_shared>>) target_semaphore(%run_scoped3A : memref<!tpu.dma_semaphore, #tpu.memory_space<semaphore_mem>>)
      %dma_wait3A = arith.constant 0 : i32
      %dma_wait3A_54 = tpu.memref_slice %arg7[%add3A_17, %dma_wait3A] : memref<10240x16xf32, #tpu.memory_space<vmem_shared>> -> memref<128x16xf32, #tpu.memory_space<vmem_shared>>
      %dma_wait3A_55 = arith.constant 0 : i32
      %dma_wait3A_56 = tpu.memref_slice %arg7[%add3A_17, %dma_wait3A_55] : memref<10240x16xf32, #tpu.memory_space<vmem_shared>> -> memref<128x16xf32, #tpu.memory_space<vmem_shared>>
      tpu.wait_dma2 semaphore(%run_scoped3A : memref<!tpu.dma_semaphore, #tpu.memory_space<semaphore_mem>>) src(%arg6 : memref<128x16xf32, #tpu.memory_space<vmem>>) dst(%dma_wait3A_56 : memref<128x16xf32, #tpu.memory_space<vmem_shared>>)
      tpu.yield
    }) : () -> ()
    %mul3A_18 = arith.constant 640 : i32
    %mul3A_19 = arith.muli %arg1, %mul3A_18 : i32
    %add3A_20 = arith.constant 384 : i32
    %add3A_21 = arith.addi %mul3A_19, %add3A_20 : i32
    "tpu.region"() ({
      %run_scoped3A = tpu.sem_alloc : memref<!tpu.dma_semaphore, #tpu.memory_space<semaphore_mem>>
      %dma_start3A = arith.constant 0 : i32
      %dma_start3A_51 = tpu.memref_slice %arg7[%add3A_21, %dma_start3A] : memref<10240x16xf32, #tpu.memory_space<vmem_shared>> -> memref<128x16xf32, #tpu.memory_space<vmem_shared>>
      %dma_start3A_52 = arith.constant 0 : i32
      %dma_start3A_53 = tpu.memref_slice %arg7[%add3A_21, %dma_start3A_52] : memref<10240x16xf32, #tpu.memory_space<vmem_shared>> -> memref<128x16xf32, #tpu.memory_space<vmem_shared>>
      tpu.enqueue_dma source(%arg6 : memref<128x16xf32, #tpu.memory_space<vmem>>) target(%dma_start3A_53 : memref<128x16xf32, #tpu.memory_space<vmem_shared>>) target_semaphore(%run_scoped3A : memref<!tpu.dma_semaphore, #tpu.memory_space<semaphore_mem>>)
      %dma_wait3A = arith.constant 0 : i32
      %dma_wait3A_54 = tpu.memref_slice %arg7[%add3A_21, %dma_wait3A] : memref<10240x16xf32, #tpu.memory_space<vmem_shared>> -> memref<128x16xf32, #tpu.memory_space<vmem_shared>>
      %dma_wait3A_55 = arith.constant 0 : i32
      %dma_wait3A_56 = tpu.memref_slice %arg7[%add3A_21, %dma_wait3A_55] : memref<10240x16xf32, #tpu.memory_space<vmem_shared>> -> memref<128x16xf32, #tpu.memory_space<vmem_shared>>
      tpu.wait_dma2 semaphore(%run_scoped3A : memref<!tpu.dma_semaphore, #tpu.memory_space<semaphore_mem>>) src(%arg6 : memref<128x16xf32, #tpu.memory_space<vmem>>) dst(%dma_wait3A_56 : memref<128x16xf32, #tpu.memory_space<vmem_shared>>)
      tpu.yield
    }) : () -> ()
    %mul3A_22 = arith.constant 640 : i32
    %mul3A_23 = arith.muli %arg1, %mul3A_22 : i32
    %add3A_24 = arith.constant 512 : i32
    %add3A_25 = arith.addi %mul3A_23, %add3A_24 : i32
    "tpu.region"() ({
      %run_scoped3A = tpu.sem_alloc : memref<!tpu.dma_semaphore, #tpu.memory_space<semaphore_mem>>
      %dma_start3A = arith.constant 0 : i32
      %dma_start3A_51 = tpu.memref_slice %arg7[%add3A_25, %dma_start3A] : memref<10240x16xf32, #tpu.memory_space<vmem_shared>> -> memref<128x16xf32, #tpu.memory_space<vmem_shared>>
      %dma_start3A_52 = arith.constant 0 : i32
      %dma_start3A_53 = tpu.memref_slice %arg7[%add3A_25, %dma_start3A_52] : memref<10240x16xf32, #tpu.memory_space<vmem_shared>> -> memref<128x16xf32, #tpu.memory_space<vmem_shared>>
      tpu.enqueue_dma source(%arg6 : memref<128x16xf32, #tpu.memory_space<vmem>>) target(%dma_start3A_53 : memref<128x16xf32, #tpu.memory_space<vmem_shared>>) target_semaphore(%run_scoped3A : memref<!tpu.dma_semaphore, #tpu.memory_space<semaphore_mem>>)
      %dma_wait3A = arith.constant 0 : i32
      %dma_wait3A_54 = tpu.memref_slice %arg7[%add3A_25, %dma_wait3A] : memref<10240x16xf32, #tpu.memory_space<vmem_shared>> -> memref<128x16xf32, #tpu.memory_space<vmem_shared>>
      %dma_wait3A_55 = arith.constant 0 : i32
      %dma_wait3A_56 = tpu.memref_slice %arg7[%add3A_25, %dma_wait3A_55] : memref<10240x16xf32, #tpu.memory_space<vmem_shared>> -> memref<128x16xf32, #tpu.memory_space<vmem_shared>>
      tpu.wait_dma2 semaphore(%run_scoped3A : memref<!tpu.dma_semaphore, #tpu.memory_space<semaphore_mem>>) src(%arg6 : memref<128x16xf32, #tpu.memory_space<vmem>>) dst(%dma_wait3A_56 : memref<128x16xf32, #tpu.memory_space<vmem_shared>>)
      tpu.yield
    }) : () -> ()
    %barrier3A = arith.constant 0 : index
    tpu.barrier barrier_id(%barrier3A)
    %mul3A_26 = arith.constant 2 : i32
    %mul3A_27 = arith.muli %mul3A_26, %add3A : i32
    %add3A_28 = arith.constant 0 : i32
    %add3A_29 = arith.addi %mul3A_27, %add3A_28 : i32
    "tpu.region"() ({
      %run_scoped3A = tpu.sem_alloc : memref<!tpu.dma_semaphore, #tpu.memory_space<semaphore_mem>>
      %dma_start3A = arith.constant 0 : i32
      %dma_start3A_51 = arith.constant 0 : i32
      %dma_start3A_52 = tpu.memref_slice %arg2[%add3A_29, %dma_start3A, %dma_start3A_51] : memref<64x40x128xi32, #tpu.memory_space<hbm>> -> memref<1x40x128xi32, #tpu.memory_space<hbm>>
      %dma_start3A_53 = tpu.memref_squeeze %dma_start3A_52 : memref<1x40x128xi32, #tpu.memory_space<hbm>> -> memref<40x128xi32, #tpu.memory_space<hbm>>
      %dma_start3A_54 = arith.constant 0 : i32
      %dma_start3A_55 = arith.constant 0 : i32
      %dma_start3A_56 = tpu.memref_slice %arg2[%add3A_29, %dma_start3A_54, %dma_start3A_55] : memref<64x40x128xi32, #tpu.memory_space<hbm>> -> memref<1x40x128xi32, #tpu.memory_space<hbm>>
      %dma_start3A_57 = tpu.memref_squeeze %dma_start3A_56 : memref<1x40x128xi32, #tpu.memory_space<hbm>> -> memref<40x128xi32, #tpu.memory_space<hbm>>
      tpu.enqueue_dma source(%dma_start3A_57 : memref<40x128xi32, #tpu.memory_space<hbm>>) target(%arg4 : memref<40x128xi32, #tpu.memory_space<vmem>>) target_semaphore(%run_scoped3A : memref<!tpu.dma_semaphore, #tpu.memory_space<semaphore_mem>>)
      %dma_wait3A = arith.constant 0 : i32
      %dma_wait3A_58 = arith.constant 0 : i32
      %dma_wait3A_59 = tpu.memref_slice %arg2[%add3A_29, %dma_wait3A, %dma_wait3A_58] : memref<64x40x128xi32, #tpu.memory_space<hbm>> -> memref<1x40x128xi32, #tpu.memory_space<hbm>>
      %dma_wait3A_60 = tpu.memref_squeeze %dma_wait3A_59 : memref<1x40x128xi32, #tpu.memory_space<hbm>> -> memref<40x128xi32, #tpu.memory_space<hbm>>
      %dma_wait3A_61 = arith.constant 0 : i32
      %dma_wait3A_62 = arith.constant 0 : i32
      %dma_wait3A_63 = tpu.memref_slice %arg2[%add3A_29, %dma_wait3A_61, %dma_wait3A_62] : memref<64x40x128xi32, #tpu.memory_space<hbm>> -> memref<1x40x128xi32, #tpu.memory_space<hbm>>
      %dma_wait3A_64 = tpu.memref_squeeze %dma_wait3A_63 : memref<1x40x128xi32, #tpu.memory_space<hbm>> -> memref<40x128xi32, #tpu.memory_space<hbm>>
      tpu.wait_dma2 semaphore(%run_scoped3A : memref<!tpu.dma_semaphore, #tpu.memory_space<semaphore_mem>>) src(%dma_wait3A_64 : memref<40x128xi32, #tpu.memory_space<hbm>>) dst(%arg4 : memref<40x128xi32, #tpu.memory_space<vmem>>)
      tpu.yield
    }) : () -> ()
    %scan3A_30 = arith.constant 0 : i32
    %scan3A_31 = arith.constant 0 : i32
    %scan3A_32 = arith.constant 40 : i32
    %scan3A_33 = arith.addi %scan3A_31, %scan3A_32 : i32
    %scan3A_34 = arith.constant 1 : i32
    scf.for %scan3A_51 = %scan3A_31 to %scan3A_33 step %scan3A_34  : i32 {
      "tpu.region"() ({
        %run_scoped3A = tpu.sem_alloc : memref<!tpu.dma_semaphore, #tpu.memory_space<semaphore_mem>>
        %dma_start3A = arith.constant 0 : i32
        %dma_start3A_52 = tpu.memref_slice %arg4[%scan3A_51, %dma_start3A] : memref<40x128xi32, #tpu.memory_space<vmem>> -> memref<1x128xi32, #tpu.memory_space<vmem>>
        %dma_start3A_53 = tpu.memref_squeeze %dma_start3A_52 : memref<1x128xi32, #tpu.memory_space<vmem>> -> memref<128xi32, #tpu.memory_space<vmem>>
        %dma_start3A_54 = arith.constant 0 : i32
        %dma_start3A_55 = arith.constant 0 : i32
        %dma_start3A_56 = tpu.memref_slice %arg7[%dma_start3A_54, %dma_start3A_55] : memref<10240x16xf32, #tpu.memory_space<vmem_shared>> -> memref<10240x16xf32, #tpu.memory_space<vmem_shared>>
        tpu.enqueue_indirect_dma source(%arg5 : memref<128x16xf32, #tpu.memory_space<vmem>>) target(%dma_start3A_56 : memref<10240x16xf32, #tpu.memory_space<vmem_shared>>) offsets(%dma_start3A_53 : memref<128xi32, #tpu.memory_space<vmem>>) semaphore(%run_scoped3A : memref<!tpu.dma_semaphore, #tpu.memory_space<semaphore_mem>>) {add = true}
        %dma_wait3A = arith.constant 0 : i32
        %dma_wait3A_57 = tpu.memref_slice %arg4[%scan3A_51, %dma_wait3A] : memref<40x128xi32, #tpu.memory_space<vmem>> -> memref<1x128xi32, #tpu.memory_space<vmem>>
        %dma_wait3A_58 = tpu.memref_squeeze %dma_wait3A_57 : memref<1x128xi32, #tpu.memory_space<vmem>> -> memref<128xi32, #tpu.memory_space<vmem>>
        %dma_wait3A_59 = arith.constant 0 : i32
        %dma_wait3A_60 = arith.constant 0 : i32
        %dma_wait3A_61 = tpu.memref_slice %arg7[%dma_wait3A_59, %dma_wait3A_60] : memref<10240x16xf32, #tpu.memory_space<vmem_shared>> -> memref<10240x16xf32, #tpu.memory_space<vmem_shared>>
        tpu.wait_indirect_dma semaphore(%run_scoped3A : memref<!tpu.dma_semaphore, #tpu.memory_space<semaphore_mem>>) src(%arg5 : memref<128x16xf32, #tpu.memory_space<vmem>>) dst(%dma_wait3A_61 : memref<10240x16xf32, #tpu.memory_space<vmem_shared>>)
        tpu.yield
      }) : () -> ()
    }
    %scan3A_35 = arith.constant 40 : i32
    %mul3A_36 = arith.constant 2 : i32
    %mul3A_37 = arith.muli %mul3A_36, %add3A : i32
    %add3A_38 = arith.constant 1 : i32
    %add3A_39 = arith.addi %mul3A_37, %add3A_38 : i32
    "tpu.region"() ({
      %run_scoped3A = tpu.sem_alloc : memref<!tpu.dma_semaphore, #tpu.memory_space<semaphore_mem>>
      %dma_start3A = arith.constant 0 : i32
      %dma_start3A_51 = arith.constant 0 : i32
      %dma_start3A_52 = tpu.memref_slice %arg2[%add3A_39, %dma_start3A, %dma_start3A_51] : memref<64x40x128xi32, #tpu.memory_space<hbm>> -> memref<1x40x128xi32, #tpu.memory_space<hbm>>
      %dma_start3A_53 = tpu.memref_squeeze %dma_start3A_52 : memref<1x40x128xi32, #tpu.memory_space<hbm>> -> memref<40x128xi32, #tpu.memory_space<hbm>>
      %dma_start3A_54 = arith.constant 0 : i32
      %dma_start3A_55 = arith.constant 0 : i32
      %dma_start3A_56 = tpu.memref_slice %arg2[%add3A_39, %dma_start3A_54, %dma_start3A_55] : memref<64x40x128xi32, #tpu.memory_space<hbm>> -> memref<1x40x128xi32, #tpu.memory_space<hbm>>
      %dma_start3A_57 = tpu.memref_squeeze %dma_start3A_56 : memref<1x40x128xi32, #tpu.memory_space<hbm>> -> memref<40x128xi32, #tpu.memory_space<hbm>>
      tpu.enqueue_dma source(%dma_start3A_57 : memref<40x128xi32, #tpu.memory_space<hbm>>) target(%arg4 : memref<40x128xi32, #tpu.memory_space<vmem>>) target_semaphore(%run_scoped3A : memref<!tpu.dma_semaphore, #tpu.memory_space<semaphore_mem>>)
      %dma_wait3A = arith.constant 0 : i32
      %dma_wait3A_58 = arith.constant 0 : i32
      %dma_wait3A_59 = tpu.memref_slice %arg2[%add3A_39, %dma_wait3A, %dma_wait3A_58] : memref<64x40x128xi32, #tpu.memory_space<hbm>> -> memref<1x40x128xi32, #tpu.memory_space<hbm>>
      %dma_wait3A_60 = tpu.memref_squeeze %dma_wait3A_59 : memref<1x40x128xi32, #tpu.memory_space<hbm>> -> memref<40x128xi32, #tpu.memory_space<hbm>>
      %dma_wait3A_61 = arith.constant 0 : i32
      %dma_wait3A_62 = arith.constant 0 : i32
      %dma_wait3A_63 = tpu.memref_slice %arg2[%add3A_39, %dma_wait3A_61, %dma_wait3A_62] : memref<64x40x128xi32, #tpu.memory_space<hbm>> -> memref<1x40x128xi32, #tpu.memory_space<hbm>>
      %dma_wait3A_64 = tpu.memref_squeeze %dma_wait3A_63 : memref<1x40x128xi32, #tpu.memory_space<hbm>> -> memref<40x128xi32, #tpu.memory_space<hbm>>
      tpu.wait_dma2 semaphore(%run_scoped3A : memref<!tpu.dma_semaphore, #tpu.memory_space<semaphore_mem>>) src(%dma_wait3A_64 : memref<40x128xi32, #tpu.memory_space<hbm>>) dst(%arg4 : memref<40x128xi32, #tpu.memory_space<vmem>>)
      tpu.yield
    }) : () -> ()
    %scan3A_40 = arith.constant 0 : i32
    %scan3A_41 = arith.constant 0 : i32
    %scan3A_42 = arith.constant 40 : i32
    %scan3A_43 = arith.addi %scan3A_41, %scan3A_42 : i32
    %scan3A_44 = arith.constant 1 : i32
    scf.for %scan3A_51 = %scan3A_41 to %scan3A_43 step %scan3A_44  : i32 {
      "tpu.region"() ({
        %run_scoped3A = tpu.sem_alloc : memref<!tpu.dma_semaphore, #tpu.memory_space<semaphore_mem>>
        %dma_start3A = arith.constant 0 : i32
        %dma_start3A_52 = tpu.memref_slice %arg4[%scan3A_51, %dma_start3A] : memref<40x128xi32, #tpu.memory_space<vmem>> -> memref<1x128xi32, #tpu.memory_space<vmem>>
        %dma_start3A_53 = tpu.memref_squeeze %dma_start3A_52 : memref<1x128xi32, #tpu.memory_space<vmem>> -> memref<128xi32, #tpu.memory_space<vmem>>
        %dma_start3A_54 = arith.constant 0 : i32
        %dma_start3A_55 = arith.constant 0 : i32
        %dma_start3A_56 = tpu.memref_slice %arg7[%dma_start3A_54, %dma_start3A_55] : memref<10240x16xf32, #tpu.memory_space<vmem_shared>> -> memref<10240x16xf32, #tpu.memory_space<vmem_shared>>
        tpu.enqueue_indirect_dma source(%arg5 : memref<128x16xf32, #tpu.memory_space<vmem>>) target(%dma_start3A_56 : memref<10240x16xf32, #tpu.memory_space<vmem_shared>>) offsets(%dma_start3A_53 : memref<128xi32, #tpu.memory_space<vmem>>) semaphore(%run_scoped3A : memref<!tpu.dma_semaphore, #tpu.memory_space<semaphore_mem>>) {add = true}
        %dma_wait3A = arith.constant 0 : i32
        %dma_wait3A_57 = tpu.memref_slice %arg4[%scan3A_51, %dma_wait3A] : memref<40x128xi32, #tpu.memory_space<vmem>> -> memref<1x128xi32, #tpu.memory_space<vmem>>
        %dma_wait3A_58 = tpu.memref_squeeze %dma_wait3A_57 : memref<1x128xi32, #tpu.memory_space<vmem>> -> memref<128xi32, #tpu.memory_space<vmem>>
        %dma_wait3A_59 = arith.constant 0 : i32
        %dma_wait3A_60 = arith.constant 0 : i32
        %dma_wait3A_61 = tpu.memref_slice %arg7[%dma_wait3A_59, %dma_wait3A_60] : memref<10240x16xf32, #tpu.memory_space<vmem_shared>> -> memref<10240x16xf32, #tpu.memory_space<vmem_shared>>
        tpu.wait_indirect_dma semaphore(%run_scoped3A : memref<!tpu.dma_semaphore, #tpu.memory_space<semaphore_mem>>) src(%arg5 : memref<128x16xf32, #tpu.memory_space<vmem>>) dst(%dma_wait3A_61 : memref<10240x16xf32, #tpu.memory_space<vmem_shared>>)
        tpu.yield
      }) : () -> ()
    }
    %scan3A_45 = arith.constant 40 : i32
    %barrier3A_46 = arith.constant 0 : index
    tpu.barrier barrier_id(%barrier3A_46)
    %mul3A_47 = arith.constant 640 : i32
    %mul3A_48 = arith.muli %arg1, %mul3A_47 : i32
    %mul3A_49 = arith.constant 640 : i32
    %mul3A_50 = arith.muli %arg1, %mul3A_49 : i32
    "tpu.region"() ({
      %run_scoped3A = tpu.sem_alloc : memref<!tpu.dma_semaphore, #tpu.memory_space<semaphore_mem>>
      %dma_start3A = arith.constant 0 : i32
      %dma_start3A_51 = tpu.memref_slice %arg3[%arg0, %mul3A_50, %dma_start3A] : memref<2x10240x16xf32, #tpu.memory_space<hbm>> -> memref<1x640x16xf32, #tpu.memory_space<hbm>>
      %dma_start3A_52 = tpu.memref_squeeze %dma_start3A_51 : memref<1x640x16xf32, #tpu.memory_space<hbm>> -> memref<640x16xf32, #tpu.memory_space<hbm>>
      %dma_start3A_53 = arith.constant 0 : i32
      %dma_start3A_54 = tpu.memref_slice %arg7[%mul3A_48, %dma_start3A_53] : memref<10240x16xf32, #tpu.memory_space<vmem_shared>> -> memref<640x16xf32, #tpu.memory_space<vmem_shared>>
      tpu.enqueue_dma source(%dma_start3A_54 : memref<640x16xf32, #tpu.memory_space<vmem_shared>>) target(%dma_start3A_52 : memref<640x16xf32, #tpu.memory_space<hbm>>) target_semaphore(%run_scoped3A : memref<!tpu.dma_semaphore, #tpu.memory_space<semaphore_mem>>)
      %dma_wait3A = arith.constant 0 : i32
      %dma_wait3A_55 = tpu.memref_slice %arg3[%arg0, %mul3A_50, %dma_wait3A] : memref<2x10240x16xf32, #tpu.memory_space<hbm>> -> memref<1x640x16xf32, #tpu.memory_space<hbm>>
      %dma_wait3A_56 = tpu.memref_squeeze %dma_wait3A_55 : memref<1x640x16xf32, #tpu.memory_space<hbm>> -> memref<640x16xf32, #tpu.memory_space<hbm>>
      %dma_wait3A_57 = arith.constant 0 : i32
      %dma_wait3A_58 = tpu.memref_slice %arg7[%mul3A_48, %dma_wait3A_57] : memref<10240x16xf32, #tpu.memory_space<vmem_shared>> -> memref<640x16xf32, #tpu.memory_space<vmem_shared>>
      tpu.wait_dma2 semaphore(%run_scoped3A : memref<!tpu.dma_semaphore, #tpu.memory_space<semaphore_mem>>) src(%dma_wait3A_58 : memref<640x16xf32, #tpu.memory_space<vmem_shared>>) dst(%dma_wait3A_56 : memref<640x16xf32, #tpu.memory_space<hbm>>)
      tpu.yield
    }) : () -> ()
    return
  }
}

#map = affine_map<(d0, d1) -> (0, 0)>
#map1 = affine_map<(d0, d1) -> (0, 0, 0)>
module attributes {stable_mosaic.version = 14 : i64} {
  func.func @_sc_aggregate(%arg0: i32, %arg1: i32, %arg2: memref<10000x128xf32, #tpu.memory_space<hbm>>, %arg3: memref<64x40x128xi32, #tpu.memory_space<hbm>>, %arg4: memref<64x40x128xi32, #tpu.memory_space<hbm>>, %arg5: memref<10240x128xf32, #tpu.memory_space<hbm>>, %arg6: memref<40x128xi32, #tpu.memory_space<vmem>>, %arg7: memref<40x128xi32, #tpu.memory_space<vmem>>, %arg8: memref<128x128xf32, #tpu.memory_space<vmem>>, %arg9: memref<128x128xf32, #tpu.memory_space<vmem>>, %arg10: memref<10240x128xf32, #tpu.memory_space<vmem_shared>>, %arg11: memref<!tpu.dma_semaphore, #tpu.memory_space<semaphore_mem>>, %arg12: memref<!tpu.dma_semaphore, #tpu.memory_space<semaphore_mem>>) attributes {dimension_semantics = [#tpu.dimension_semantics<core_parallel>, #tpu.dimension_semantics<subcore_parallel>], iteration_bounds = array<i64: 2, 16>, scalar_prefetch = 0 : i64, scratch_operands = 7 : i64, tpu.core_type = #tpu.core_type<sc_vector_subcore>, window_params = [{transform_indices = #map}, {transform_indices = #map1}, {transform_indices = #map1}, {transform_indices = #map}]} {
    %scan3A = arith.constant 0 : i32
    %scan3A_0 = arith.constant 0 : i32
    %scan3A_1 = arith.constant 128 : i32
    %scan3A_2 = arith.addi %scan3A_0, %scan3A_1 : i32
    %scan3A_3 = arith.constant 1 : i32
    scf.for %scan3A_31 = %scan3A_0 to %scan3A_2 step %scan3A_3  : i32 {
      %broadcast_in_dim3A = arith.constant 0.000000e+00 : f32
      %broadcast_in_dim3A_32 = vector.broadcast %broadcast_in_dim3A : f32 to vector<16xf32>
      %swap3A = arith.index_cast %scan3A_31 : i32 to index
      %swap3A_33 = arith.constant 0 : index
      %swap3A_34 = tpu.vector_load %arg8[%swap3A, %swap3A_33] {strides = array<i32>} : memref<128x128xf32, #tpu.memory_space<vmem>>, vector<1x16xf32>,
      %swap3A_35 = vector.shape_cast %swap3A_34 : vector<1x16xf32> to vector<16xf32>
      %swap3A_36 = vector.shape_cast %broadcast_in_dim3A_32 : vector<16xf32> to vector<1x16xf32>
      tpu.vector_store %arg8[%swap3A, %swap3A_33], %swap3A_36 {strides = array<i32>} : memref<128x128xf32, #tpu.memory_space<vmem>>, vector<1x16xf32>,
      %broadcast_in_dim3A_37 = arith.constant 0.000000e+00 : f32
      %broadcast_in_dim3A_38 = vector.broadcast %broadcast_in_dim3A_37 : f32 to vector<16xf32>
      %swap3A_39 = arith.index_cast %scan3A_31 : i32 to index
      %swap3A_40 = arith.constant 16 : index
      %swap3A_41 = tpu.vector_load %arg8[%swap3A_39, %swap3A_40] {strides = array<i32>} : memref<128x128xf32, #tpu.memory_space<vmem>>, vector<1x16xf32>,
      %swap3A_42 = vector.shape_cast %swap3A_41 : vector<1x16xf32> to vector<16xf32>
      %swap3A_43 = vector.shape_cast %broadcast_in_dim3A_38 : vector<16xf32> to vector<1x16xf32>
      tpu.vector_store %arg8[%swap3A_39, %swap3A_40], %swap3A_43 {strides = array<i32>} : memref<128x128xf32, #tpu.memory_space<vmem>>, vector<1x16xf32>,
      %broadcast_in_dim3A_44 = arith.constant 0.000000e+00 : f32
      %broadcast_in_dim3A_45 = vector.broadcast %broadcast_in_dim3A_44 : f32 to vector<16xf32>
      %swap3A_46 = arith.index_cast %scan3A_31 : i32 to index
      %swap3A_47 = arith.constant 32 : index
      %swap3A_48 = tpu.vector_load %arg8[%swap3A_46, %swap3A_47] {strides = array<i32>} : memref<128x128xf32, #tpu.memory_space<vmem>>, vector<1x16xf32>,
      %swap3A_49 = vector.shape_cast %swap3A_48 : vector<1x16xf32> to vector<16xf32>
      %swap3A_50 = vector.shape_cast %broadcast_in_dim3A_45 : vector<16xf32> to vector<1x16xf32>
      tpu.vector_store %arg8[%swap3A_46, %swap3A_47], %swap3A_50 {strides = array<i32>} : memref<128x128xf32, #tpu.memory_space<vmem>>, vector<1x16xf32>,
      %broadcast_in_dim3A_51 = arith.constant 0.000000e+00 : f32
      %broadcast_in_dim3A_52 = vector.broadcast %broadcast_in_dim3A_51 : f32 to vector<16xf32>
      %swap3A_53 = arith.index_cast %scan3A_31 : i32 to index
      %swap3A_54 = arith.constant 48 : index
      %swap3A_55 = tpu.vector_load %arg8[%swap3A_53, %swap3A_54] {strides = array<i32>} : memref<128x128xf32, #tpu.memory_space<vmem>>, vector<1x16xf32>,
      %swap3A_56 = vector.shape_cast %swap3A_55 : vector<1x16xf32> to vector<16xf32>
      %swap3A_57 = vector.shape_cast %broadcast_in_dim3A_52 : vector<16xf32> to vector<1x16xf32>
      tpu.vector_store %arg8[%swap3A_53, %swap3A_54], %swap3A_57 {strides = array<i32>} : memref<128x128xf32, #tpu.memory_space<vmem>>, vector<1x16xf32>,
      %broadcast_in_dim3A_58 = arith.constant 0.000000e+00 : f32
      %broadcast_in_dim3A_59 = vector.broadcast %broadcast_in_dim3A_58 : f32 to vector<16xf32>
      %swap3A_60 = arith.index_cast %scan3A_31 : i32 to index
      %swap3A_61 = arith.constant 64 : index
      %swap3A_62 = tpu.vector_load %arg8[%swap3A_60, %swap3A_61] {strides = array<i32>} : memref<128x128xf32, #tpu.memory_space<vmem>>, vector<1x16xf32>,
      %swap3A_63 = vector.shape_cast %swap3A_62 : vector<1x16xf32> to vector<16xf32>
      %swap3A_64 = vector.shape_cast %broadcast_in_dim3A_59 : vector<16xf32> to vector<1x16xf32>
      tpu.vector_store %arg8[%swap3A_60, %swap3A_61], %swap3A_64 {strides = array<i32>} : memref<128x128xf32, #tpu.memory_space<vmem>>, vector<1x16xf32>,
      %broadcast_in_dim3A_65 = arith.constant 0.000000e+00 : f32
      %broadcast_in_dim3A_66 = vector.broadcast %broadcast_in_dim3A_65 : f32 to vector<16xf32>
      %swap3A_67 = arith.index_cast %scan3A_31 : i32 to index
      %swap3A_68 = arith.constant 80 : index
      %swap3A_69 = tpu.vector_load %arg8[%swap3A_67, %swap3A_68] {strides = array<i32>} : memref<128x128xf32, #tpu.memory_space<vmem>>, vector<1x16xf32>,
      %swap3A_70 = vector.shape_cast %swap3A_69 : vector<1x16xf32> to vector<16xf32>
      %swap3A_71 = vector.shape_cast %broadcast_in_dim3A_66 : vector<16xf32> to vector<1x16xf32>
      tpu.vector_store %arg8[%swap3A_67, %swap3A_68], %swap3A_71 {strides = array<i32>} : memref<128x128xf32, #tpu.memory_space<vmem>>, vector<1x16xf32>,
      %broadcast_in_dim3A_72 = arith.constant 0.000000e+00 : f32
      %broadcast_in_dim3A_73 = vector.broadcast %broadcast_in_dim3A_72 : f32 to vector<16xf32>
      %swap3A_74 = arith.index_cast %scan3A_31 : i32 to index
      %swap3A_75 = arith.constant 96 : index
      %swap3A_76 = tpu.vector_load %arg8[%swap3A_74, %swap3A_75] {strides = array<i32>} : memref<128x128xf32, #tpu.memory_space<vmem>>, vector<1x16xf32>,
      %swap3A_77 = vector.shape_cast %swap3A_76 : vector<1x16xf32> to vector<16xf32>
      %swap3A_78 = vector.shape_cast %broadcast_in_dim3A_73 : vector<16xf32> to vector<1x16xf32>
      tpu.vector_store %arg8[%swap3A_74, %swap3A_75], %swap3A_78 {strides = array<i32>} : memref<128x128xf32, #tpu.memory_space<vmem>>, vector<1x16xf32>,
      %broadcast_in_dim3A_79 = arith.constant 0.000000e+00 : f32
      %broadcast_in_dim3A_80 = vector.broadcast %broadcast_in_dim3A_79 : f32 to vector<16xf32>
      %swap3A_81 = arith.index_cast %scan3A_31 : i32 to index
      %swap3A_82 = arith.constant 112 : index
      %swap3A_83 = tpu.vector_load %arg8[%swap3A_81, %swap3A_82] {strides = array<i32>} : memref<128x128xf32, #tpu.memory_space<vmem>>, vector<1x16xf32>,
      %swap3A_84 = vector.shape_cast %swap3A_83 : vector<1x16xf32> to vector<16xf32>
      %swap3A_85 = vector.shape_cast %broadcast_in_dim3A_80 : vector<16xf32> to vector<1x16xf32>
      tpu.vector_store %arg8[%swap3A_81, %swap3A_82], %swap3A_85 {strides = array<i32>} : memref<128x128xf32, #tpu.memory_space<vmem>>, vector<1x16xf32>,
    }
    %scan3A_4 = arith.constant 128 : i32
    %mul3A = arith.constant 640 : i32
    %mul3A_5 = arith.muli %arg1, %mul3A : i32
    %add3A = arith.constant 0 : i32
    %add3A_6 = arith.addi %mul3A_5, %add3A : i32
    "tpu.region"() ({
      %run_scoped3A = tpu.sem_alloc : memref<!tpu.dma_semaphore, #tpu.memory_space<semaphore_mem>>
      %dma_start3A = arith.constant 0 : i32
      %dma_start3A_31 = tpu.memref_slice %arg10[%add3A_6, %dma_start3A] : memref<10240x128xf32, #tpu.memory_space<vmem_shared>> -> memref<128x128xf32, #tpu.memory_space<vmem_shared>>
      %dma_start3A_32 = arith.constant 0 : i32
      %dma_start3A_33 = tpu.memref_slice %arg10[%add3A_6, %dma_start3A_32] : memref<10240x128xf32, #tpu.memory_space<vmem_shared>> -> memref<128x128xf32, #tpu.memory_space<vmem_shared>>
      tpu.enqueue_dma source(%arg8 : memref<128x128xf32, #tpu.memory_space<vmem>>) target(%dma_start3A_33 : memref<128x128xf32, #tpu.memory_space<vmem_shared>>) target_semaphore(%run_scoped3A : memref<!tpu.dma_semaphore, #tpu.memory_space<semaphore_mem>>)
      %dma_wait3A = arith.constant 0 : i32
      %dma_wait3A_34 = tpu.memref_slice %arg10[%add3A_6, %dma_wait3A] : memref<10240x128xf32, #tpu.memory_space<vmem_shared>> -> memref<128x128xf32, #tpu.memory_space<vmem_shared>>
      %dma_wait3A_35 = arith.constant 0 : i32
      %dma_wait3A_36 = tpu.memref_slice %arg10[%add3A_6, %dma_wait3A_35] : memref<10240x128xf32, #tpu.memory_space<vmem_shared>> -> memref<128x128xf32, #tpu.memory_space<vmem_shared>>
      tpu.wait_dma2 semaphore(%run_scoped3A : memref<!tpu.dma_semaphore, #tpu.memory_space<semaphore_mem>>) src(%arg8 : memref<128x128xf32, #tpu.memory_space<vmem>>) dst(%dma_wait3A_36 : memref<128x128xf32, #tpu.memory_space<vmem_shared>>)
      tpu.yield
    }) : () -> ()
    %mul3A_7 = arith.constant 640 : i32
    %mul3A_8 = arith.muli %arg1, %mul3A_7 : i32
    %add3A_9 = arith.constant 128 : i32
    %add3A_10 = arith.addi %mul3A_8, %add3A_9 : i32
    "tpu.region"() ({
      %run_scoped3A = tpu.sem_alloc : memref<!tpu.dma_semaphore, #tpu.memory_space<semaphore_mem>>
      %dma_start3A = arith.constant 0 : i32
      %dma_start3A_31 = tpu.memref_slice %arg10[%add3A_10, %dma_start3A] : memref<10240x128xf32, #tpu.memory_space<vmem_shared>> -> memref<128x128xf32, #tpu.memory_space<vmem_shared>>
      %dma_start3A_32 = arith.constant 0 : i32
      %dma_start3A_33 = tpu.memref_slice %arg10[%add3A_10, %dma_start3A_32] : memref<10240x128xf32, #tpu.memory_space<vmem_shared>> -> memref<128x128xf32, #tpu.memory_space<vmem_shared>>
      tpu.enqueue_dma source(%arg8 : memref<128x128xf32, #tpu.memory_space<vmem>>) target(%dma_start3A_33 : memref<128x128xf32, #tpu.memory_space<vmem_shared>>) target_semaphore(%run_scoped3A : memref<!tpu.dma_semaphore, #tpu.memory_space<semaphore_mem>>)
      %dma_wait3A = arith.constant 0 : i32
      %dma_wait3A_34 = tpu.memref_slice %arg10[%add3A_10, %dma_wait3A] : memref<10240x128xf32, #tpu.memory_space<vmem_shared>> -> memref<128x128xf32, #tpu.memory_space<vmem_shared>>
      %dma_wait3A_35 = arith.constant 0 : i32
      %dma_wait3A_36 = tpu.memref_slice %arg10[%add3A_10, %dma_wait3A_35] : memref<10240x128xf32, #tpu.memory_space<vmem_shared>> -> memref<128x128xf32, #tpu.memory_space<vmem_shared>>
      tpu.wait_dma2 semaphore(%run_scoped3A : memref<!tpu.dma_semaphore, #tpu.memory_space<semaphore_mem>>) src(%arg8 : memref<128x128xf32, #tpu.memory_space<vmem>>) dst(%dma_wait3A_36 : memref<128x128xf32, #tpu.memory_space<vmem_shared>>)
      tpu.yield
    }) : () -> ()
    %mul3A_11 = arith.constant 640 : i32
    %mul3A_12 = arith.muli %arg1, %mul3A_11 : i32
    %add3A_13 = arith.constant 256 : i32
    %add3A_14 = arith.addi %mul3A_12, %add3A_13 : i32
    "tpu.region"() ({
      %run_scoped3A = tpu.sem_alloc : memref<!tpu.dma_semaphore, #tpu.memory_space<semaphore_mem>>
      %dma_start3A = arith.constant 0 : i32
      %dma_start3A_31 = tpu.memref_slice %arg10[%add3A_14, %dma_start3A] : memref<10240x128xf32, #tpu.memory_space<vmem_shared>> -> memref<128x128xf32, #tpu.memory_space<vmem_shared>>
      %dma_start3A_32 = arith.constant 0 : i32
      %dma_start3A_33 = tpu.memref_slice %arg10[%add3A_14, %dma_start3A_32] : memref<10240x128xf32, #tpu.memory_space<vmem_shared>> -> memref<128x128xf32, #tpu.memory_space<vmem_shared>>
      tpu.enqueue_dma source(%arg8 : memref<128x128xf32, #tpu.memory_space<vmem>>) target(%dma_start3A_33 : memref<128x128xf32, #tpu.memory_space<vmem_shared>>) target_semaphore(%run_scoped3A : memref<!tpu.dma_semaphore, #tpu.memory_space<semaphore_mem>>)
      %dma_wait3A = arith.constant 0 : i32
      %dma_wait3A_34 = tpu.memref_slice %arg10[%add3A_14, %dma_wait3A] : memref<10240x128xf32, #tpu.memory_space<vmem_shared>> -> memref<128x128xf32, #tpu.memory_space<vmem_shared>>
      %dma_wait3A_35 = arith.constant 0 : i32
      %dma_wait3A_36 = tpu.memref_slice %arg10[%add3A_14, %dma_wait3A_35] : memref<10240x128xf32, #tpu.memory_space<vmem_shared>> -> memref<128x128xf32, #tpu.memory_space<vmem_shared>>
      tpu.wait_dma2 semaphore(%run_scoped3A : memref<!tpu.dma_semaphore, #tpu.memory_space<semaphore_mem>>) src(%arg8 : memref<128x128xf32, #tpu.memory_space<vmem>>) dst(%dma_wait3A_36 : memref<128x128xf32, #tpu.memory_space<vmem_shared>>)
      tpu.yield
    }) : () -> ()
    %mul3A_15 = arith.constant 640 : i32
    %mul3A_16 = arith.muli %arg1, %mul3A_15 : i32
    %add3A_17 = arith.constant 384 : i32
    %add3A_18 = arith.addi %mul3A_16, %add3A_17 : i32
    "tpu.region"() ({
      %run_scoped3A = tpu.sem_alloc : memref<!tpu.dma_semaphore, #tpu.memory_space<semaphore_mem>>
      %dma_start3A = arith.constant 0 : i32
      %dma_start3A_31 = tpu.memref_slice %arg10[%add3A_18, %dma_start3A] : memref<10240x128xf32, #tpu.memory_space<vmem_shared>> -> memref<128x128xf32, #tpu.memory_space<vmem_shared>>
      %dma_start3A_32 = arith.constant 0 : i32
      %dma_start3A_33 = tpu.memref_slice %arg10[%add3A_18, %dma_start3A_32] : memref<10240x128xf32, #tpu.memory_space<vmem_shared>> -> memref<128x128xf32, #tpu.memory_space<vmem_shared>>
      tpu.enqueue_dma source(%arg8 : memref<128x128xf32, #tpu.memory_space<vmem>>) target(%dma_start3A_33 : memref<128x128xf32, #tpu.memory_space<vmem_shared>>) target_semaphore(%run_scoped3A : memref<!tpu.dma_semaphore, #tpu.memory_space<semaphore_mem>>)
      %dma_wait3A = arith.constant 0 : i32
      %dma_wait3A_34 = tpu.memref_slice %arg10[%add3A_18, %dma_wait3A] : memref<10240x128xf32, #tpu.memory_space<vmem_shared>> -> memref<128x128xf32, #tpu.memory_space<vmem_shared>>
      %dma_wait3A_35 = arith.constant 0 : i32
      %dma_wait3A_36 = tpu.memref_slice %arg10[%add3A_18, %dma_wait3A_35] : memref<10240x128xf32, #tpu.memory_space<vmem_shared>> -> memref<128x128xf32, #tpu.memory_space<vmem_shared>>
      tpu.wait_dma2 semaphore(%run_scoped3A : memref<!tpu.dma_semaphore, #tpu.memory_space<semaphore_mem>>) src(%arg8 : memref<128x128xf32, #tpu.memory_space<vmem>>) dst(%dma_wait3A_36 : memref<128x128xf32, #tpu.memory_space<vmem_shared>>)
      tpu.yield
    }) : () -> ()
    %mul3A_19 = arith.constant 640 : i32
    %mul3A_20 = arith.muli %arg1, %mul3A_19 : i32
    %add3A_21 = arith.constant 512 : i32
    %add3A_22 = arith.addi %mul3A_20, %add3A_21 : i32
    "tpu.region"() ({
      %run_scoped3A = tpu.sem_alloc : memref<!tpu.dma_semaphore, #tpu.memory_space<semaphore_mem>>
      %dma_start3A = arith.constant 0 : i32
      %dma_start3A_31 = tpu.memref_slice %arg10[%add3A_22, %dma_start3A] : memref<10240x128xf32, #tpu.memory_space<vmem_shared>> -> memref<128x128xf32, #tpu.memory_space<vmem_shared>>
      %dma_start3A_32 = arith.constant 0 : i32
      %dma_start3A_33 = tpu.memref_slice %arg10[%add3A_22, %dma_start3A_32] : memref<10240x128xf32, #tpu.memory_space<vmem_shared>> -> memref<128x128xf32, #tpu.memory_space<vmem_shared>>
      tpu.enqueue_dma source(%arg8 : memref<128x128xf32, #tpu.memory_space<vmem>>) target(%dma_start3A_33 : memref<128x128xf32, #tpu.memory_space<vmem_shared>>) target_semaphore(%run_scoped3A : memref<!tpu.dma_semaphore, #tpu.memory_space<semaphore_mem>>)
      %dma_wait3A = arith.constant 0 : i32
      %dma_wait3A_34 = tpu.memref_slice %arg10[%add3A_22, %dma_wait3A] : memref<10240x128xf32, #tpu.memory_space<vmem_shared>> -> memref<128x128xf32, #tpu.memory_space<vmem_shared>>
      %dma_wait3A_35 = arith.constant 0 : i32
      %dma_wait3A_36 = tpu.memref_slice %arg10[%add3A_22, %dma_wait3A_35] : memref<10240x128xf32, #tpu.memory_space<vmem_shared>> -> memref<128x128xf32, #tpu.memory_space<vmem_shared>>
      tpu.wait_dma2 semaphore(%run_scoped3A : memref<!tpu.dma_semaphore, #tpu.memory_space<semaphore_mem>>) src(%arg8 : memref<128x128xf32, #tpu.memory_space<vmem>>) dst(%dma_wait3A_36 : memref<128x128xf32, #tpu.memory_space<vmem_shared>>)
      tpu.yield
    }) : () -> ()
    %barrier3A = arith.constant 0 : index
    tpu.barrier barrier_id(%barrier3A)
    %eq3A = arith.constant 0 : i32
    %eq3A_23 = arith.cmpi eq, %arg0, %eq3A : i32
    %convert_element_type3A = arith.extui %eq3A_23 : i1 to i32
    %cond3A = arith.constant 0 : i32
    %cond3A_24 = arith.cmpi ne, %convert_element_type3A, %cond3A : i32
    scf.if %cond3A_24 {
      %mul3A_31 = arith.constant 4 : i32
      %mul3A_32 = arith.muli %mul3A_31, %arg1 : i32
      %scan3A_33 = arith.constant 0 : i32
      %scan3A_34 = arith.constant 4 : i32
      %scan3A_35 = arith.addi %scan3A_33, %scan3A_34 : i32
      %scan3A_36 = arith.constant 1 : i32
      scf.for %scan3A_38 = %scan3A_33 to %scan3A_35 step %scan3A_36  : i32 {
        %add3A_39 = arith.addi %mul3A_32, %scan3A_38 : i32
        "tpu.region"() ({
          %run_scoped3A = tpu.sem_alloc : memref<!tpu.dma_semaphore, #tpu.memory_space<semaphore_mem>>
          %dma_start3A_59 = arith.constant 0 : i32
          %dma_start3A_60 = arith.constant 0 : i32
          %dma_start3A_61 = tpu.memref_slice %arg3[%add3A_39, %dma_start3A_59, %dma_start3A_60] : memref<64x40x128xi32, #tpu.memory_space<hbm>> -> memref<1x40x128xi32, #tpu.memory_space<hbm>>
          %dma_start3A_62 = tpu.memref_squeeze %dma_start3A_61 : memref<1x40x128xi32, #tpu.memory_space<hbm>> -> memref<40x128xi32, #tpu.memory_space<hbm>>
          %dma_start3A_63 = arith.constant 0 : i32
          %dma_start3A_64 = arith.constant 0 : i32
          %dma_start3A_65 = tpu.memref_slice %arg3[%add3A_39, %dma_start3A_63, %dma_start3A_64] : memref<64x40x128xi32, #tpu.memory_space<hbm>> -> memref<1x40x128xi32, #tpu.memory_space<hbm>>
          %dma_start3A_66 = tpu.memref_squeeze %dma_start3A_65 : memref<1x40x128xi32, #tpu.memory_space<hbm>> -> memref<40x128xi32, #tpu.memory_space<hbm>>
          tpu.enqueue_dma source(%dma_start3A_66 : memref<40x128xi32, #tpu.memory_space<hbm>>) target(%arg6 : memref<40x128xi32, #tpu.memory_space<vmem>>) target_semaphore(%run_scoped3A : memref<!tpu.dma_semaphore, #tpu.memory_space<semaphore_mem>>)
          %dma_wait3A = arith.constant 0 : i32
          %dma_wait3A_67 = arith.constant 0 : i32
          %dma_wait3A_68 = tpu.memref_slice %arg3[%add3A_39, %dma_wait3A, %dma_wait3A_67] : memref<64x40x128xi32, #tpu.memory_space<hbm>> -> memref<1x40x128xi32, #tpu.memory_space<hbm>>
          %dma_wait3A_69 = tpu.memref_squeeze %dma_wait3A_68 : memref<1x40x128xi32, #tpu.memory_space<hbm>> -> memref<40x128xi32, #tpu.memory_space<hbm>>
          %dma_wait3A_70 = arith.constant 0 : i32
          %dma_wait3A_71 = arith.constant 0 : i32
          %dma_wait3A_72 = tpu.memref_slice %arg3[%add3A_39, %dma_wait3A_70, %dma_wait3A_71] : memref<64x40x128xi32, #tpu.memory_space<hbm>> -> memref<1x40x128xi32, #tpu.memory_space<hbm>>
          %dma_wait3A_73 = tpu.memref_squeeze %dma_wait3A_72 : memref<1x40x128xi32, #tpu.memory_space<hbm>> -> memref<40x128xi32, #tpu.memory_space<hbm>>
          tpu.wait_dma2 semaphore(%run_scoped3A : memref<!tpu.dma_semaphore, #tpu.memory_space<semaphore_mem>>) src(%dma_wait3A_73 : memref<40x128xi32, #tpu.memory_space<hbm>>) dst(%arg6 : memref<40x128xi32, #tpu.memory_space<vmem>>)
          tpu.yield
        }) : () -> ()
        "tpu.region"() ({
          %run_scoped3A = tpu.sem_alloc : memref<!tpu.dma_semaphore, #tpu.memory_space<semaphore_mem>>
          %dma_start3A_59 = arith.constant 0 : i32
          %dma_start3A_60 = arith.constant 0 : i32
          %dma_start3A_61 = tpu.memref_slice %arg4[%add3A_39, %dma_start3A_59, %dma_start3A_60] : memref<64x40x128xi32, #tpu.memory_space<hbm>> -> memref<1x40x128xi32, #tpu.memory_space<hbm>>
          %dma_start3A_62 = tpu.memref_squeeze %dma_start3A_61 : memref<1x40x128xi32, #tpu.memory_space<hbm>> -> memref<40x128xi32, #tpu.memory_space<hbm>>
          %dma_start3A_63 = arith.constant 0 : i32
          %dma_start3A_64 = arith.constant 0 : i32
          %dma_start3A_65 = tpu.memref_slice %arg4[%add3A_39, %dma_start3A_63, %dma_start3A_64] : memref<64x40x128xi32, #tpu.memory_space<hbm>> -> memref<1x40x128xi32, #tpu.memory_space<hbm>>
          %dma_start3A_66 = tpu.memref_squeeze %dma_start3A_65 : memref<1x40x128xi32, #tpu.memory_space<hbm>> -> memref<40x128xi32, #tpu.memory_space<hbm>>
          tpu.enqueue_dma source(%dma_start3A_66 : memref<40x128xi32, #tpu.memory_space<hbm>>) target(%arg7 : memref<40x128xi32, #tpu.memory_space<vmem>>) target_semaphore(%run_scoped3A : memref<!tpu.dma_semaphore, #tpu.memory_space<semaphore_mem>>)
          %dma_wait3A = arith.constant 0 : i32
          %dma_wait3A_67 = arith.constant 0 : i32
          %dma_wait3A_68 = tpu.memref_slice %arg4[%add3A_39, %dma_wait3A, %dma_wait3A_67] : memref<64x40x128xi32, #tpu.memory_space<hbm>> -> memref<1x40x128xi32, #tpu.memory_space<hbm>>
          %dma_wait3A_69 = tpu.memref_squeeze %dma_wait3A_68 : memref<1x40x128xi32, #tpu.memory_space<hbm>> -> memref<40x128xi32, #tpu.memory_space<hbm>>
          %dma_wait3A_70 = arith.constant 0 : i32
          %dma_wait3A_71 = arith.constant 0 : i32
          %dma_wait3A_72 = tpu.memref_slice %arg4[%add3A_39, %dma_wait3A_70, %dma_wait3A_71] : memref<64x40x128xi32, #tpu.memory_space<hbm>> -> memref<1x40x128xi32, #tpu.memory_space<hbm>>
          %dma_wait3A_73 = tpu.memref_squeeze %dma_wait3A_72 : memref<1x40x128xi32, #tpu.memory_space<hbm>> -> memref<40x128xi32, #tpu.memory_space<hbm>>
          tpu.wait_dma2 semaphore(%run_scoped3A : memref<!tpu.dma_semaphore, #tpu.memory_space<semaphore_mem>>) src(%dma_wait3A_73 : memref<40x128xi32, #tpu.memory_space<hbm>>) dst(%arg7 : memref<40x128xi32, #tpu.memory_space<vmem>>)
          tpu.yield
        }) : () -> ()
        %dma_start3A = arith.constant 0 : i32
        %dma_start3A_40 = arith.constant 0 : i32
        %dma_start3A_41 = tpu.memref_slice %arg6[%dma_start3A, %dma_start3A_40] : memref<40x128xi32, #tpu.memory_space<vmem>> -> memref<1x128xi32, #tpu.memory_space<vmem>>
        %dma_start3A_42 = tpu.memref_squeeze %dma_start3A_41 : memref<1x128xi32, #tpu.memory_space<vmem>> -> memref<128xi32, #tpu.memory_space<vmem>>
        %dma_start3A_43 = arith.constant 0 : i32
        %dma_start3A_44 = arith.constant 0 : i32
        %dma_start3A_45 = tpu.memref_slice %arg2[%dma_start3A_43, %dma_start3A_44] : memref<10000x128xf32, #tpu.memory_space<hbm>> -> memref<10000x128xf32, #tpu.memory_space<hbm>>
        tpu.enqueue_indirect_dma source(%dma_start3A_45 : memref<10000x128xf32, #tpu.memory_space<hbm>>) target(%arg8 : memref<128x128xf32, #tpu.memory_space<vmem>>) offsets(%dma_start3A_42 : memref<128xi32, #tpu.memory_space<vmem>>) semaphore(%arg11 : memref<!tpu.dma_semaphore, #tpu.memory_space<semaphore_mem>>)
        %dma_start3A_46 = arith.constant 1 : i32
        %dma_start3A_47 = arith.constant 0 : i32
        %dma_start3A_48 = tpu.memref_slice %arg6[%dma_start3A_46, %dma_start3A_47] : memref<40x128xi32, #tpu.memory_space<vmem>> -> memref<1x128xi32, #tpu.memory_space<vmem>>
        %dma_start3A_49 = tpu.memref_squeeze %dma_start3A_48 : memref<1x128xi32, #tpu.memory_space<vmem>> -> memref<128xi32, #tpu.memory_space<vmem>>
        %dma_start3A_50 = arith.constant 0 : i32
        %dma_start3A_51 = arith.constant 0 : i32
        %dma_start3A_52 = tpu.memref_slice %arg2[%dma_start3A_50, %dma_start3A_51] : memref<10000x128xf32, #tpu.memory_space<hbm>> -> memref<10000x128xf32, #tpu.memory_space<hbm>>
        tpu.enqueue_indirect_dma source(%dma_start3A_52 : memref<10000x128xf32, #tpu.memory_space<hbm>>) target(%arg9 : memref<128x128xf32, #tpu.memory_space<vmem>>) offsets(%dma_start3A_49 : memref<128xi32, #tpu.memory_space<vmem>>) semaphore(%arg12 : memref<!tpu.dma_semaphore, #tpu.memory_space<semaphore_mem>>)
        %scan3A_53 = arith.constant 0 : i32
        %scan3A_54 = arith.constant 0 : i32
        %scan3A_55 = arith.constant 20 : i32
        %scan3A_56 = arith.addi %scan3A_54, %scan3A_55 : i32
        %scan3A_57 = arith.constant 1 : i32
        scf.for %scan3A_59 = %scan3A_54 to %scan3A_56 step %scan3A_57  : i32 {
          %mul3A_60 = arith.constant 2 : i32
          %mul3A_61 = arith.muli %scan3A_59, %mul3A_60 : i32
          %add3A_62 = arith.constant 0 : i32
          %add3A_63 = arith.addi %mul3A_61, %add3A_62 : i32
          %dma_wait3A = arith.constant 0 : i32
          %dma_wait3A_64 = tpu.memref_slice %arg6[%add3A_63, %dma_wait3A] : memref<40x128xi32, #tpu.memory_space<vmem>> -> memref<1x128xi32, #tpu.memory_space<vmem>>
          %dma_wait3A_65 = tpu.memref_squeeze %dma_wait3A_64 : memref<1x128xi32, #tpu.memory_space<vmem>> -> memref<128xi32, #tpu.memory_space<vmem>>
          %dma_wait3A_66 = arith.constant 0 : i32
          %dma_wait3A_67 = arith.constant 0 : i32
          %dma_wait3A_68 = tpu.memref_slice %arg2[%dma_wait3A_66, %dma_wait3A_67] : memref<10000x128xf32, #tpu.memory_space<hbm>> -> memref<10000x128xf32, #tpu.memory_space<hbm>>
          tpu.wait_indirect_dma semaphore(%arg11 : memref<!tpu.dma_semaphore, #tpu.memory_space<semaphore_mem>>) src(%dma_wait3A_68 : memref<10000x128xf32, #tpu.memory_space<hbm>>) dst(%arg8 : memref<128x128xf32, #tpu.memory_space<vmem>>)
          "tpu.region"() ({
            %run_scoped3A = tpu.sem_alloc : memref<!tpu.dma_semaphore, #tpu.memory_space<semaphore_mem>>
            %dma_start3A_92 = arith.constant 0 : i32
            %dma_start3A_93 = tpu.memref_slice %arg7[%add3A_63, %dma_start3A_92] : memref<40x128xi32, #tpu.memory_space<vmem>> -> memref<1x128xi32, #tpu.memory_space<vmem>>
            %dma_start3A_94 = tpu.memref_squeeze %dma_start3A_93 : memref<1x128xi32, #tpu.memory_space<vmem>> -> memref<128xi32, #tpu.memory_space<vmem>>
            %dma_start3A_95 = arith.constant 0 : i32
            %dma_start3A_96 = arith.constant 0 : i32
            %dma_start3A_97 = tpu.memref_slice %arg10[%dma_start3A_95, %dma_start3A_96] : memref<10240x128xf32, #tpu.memory_space<vmem_shared>> -> memref<10240x128xf32, #tpu.memory_space<vmem_shared>>
            tpu.enqueue_indirect_dma source(%arg8 : memref<128x128xf32, #tpu.memory_space<vmem>>) target(%dma_start3A_97 : memref<10240x128xf32, #tpu.memory_space<vmem_shared>>) offsets(%dma_start3A_94 : memref<128xi32, #tpu.memory_space<vmem>>) semaphore(%run_scoped3A : memref<!tpu.dma_semaphore, #tpu.memory_space<semaphore_mem>>) {add = true}
            %dma_wait3A_98 = arith.constant 0 : i32
            %dma_wait3A_99 = tpu.memref_slice %arg7[%add3A_63, %dma_wait3A_98] : memref<40x128xi32, #tpu.memory_space<vmem>> -> memref<1x128xi32, #tpu.memory_space<vmem>>
            %dma_wait3A_100 = tpu.memref_squeeze %dma_wait3A_99 : memref<1x128xi32, #tpu.memory_space<vmem>> -> memref<128xi32, #tpu.memory_space<vmem>>
            %dma_wait3A_101 = arith.constant 0 : i32
            %dma_wait3A_102 = arith.constant 0 : i32
            %dma_wait3A_103 = tpu.memref_slice %arg10[%dma_wait3A_101, %dma_wait3A_102] : memref<10240x128xf32, #tpu.memory_space<vmem_shared>> -> memref<10240x128xf32, #tpu.memory_space<vmem_shared>>
            tpu.wait_indirect_dma semaphore(%run_scoped3A : memref<!tpu.dma_semaphore, #tpu.memory_space<semaphore_mem>>) src(%arg8 : memref<128x128xf32, #tpu.memory_space<vmem>>) dst(%dma_wait3A_103 : memref<10240x128xf32, #tpu.memory_space<vmem_shared>>)
            tpu.yield
          }) : () -> ()
          %add3A_69 = arith.constant 2 : i32
          %add3A_70 = arith.addi %add3A_63, %add3A_69 : i32
          %lt3A = arith.constant 40 : i32
          %lt3A_71 = arith.cmpi slt, %add3A_70, %lt3A : i32
          %convert_element_type3A_72 = arith.extui %lt3A_71 : i1 to i32
          %cond3A_73 = arith.constant 0 : i32
          %cond3A_74 = arith.cmpi ne, %convert_element_type3A_72, %cond3A_73 : i32
          scf.if %cond3A_74 {
            %dma_start3A_92 = arith.constant 0 : i32
            %dma_start3A_93 = tpu.memref_slice %arg6[%add3A_70, %dma_start3A_92] : memref<40x128xi32, #tpu.memory_space<vmem>> -> memref<1x128xi32, #tpu.memory_space<vmem>>
            %dma_start3A_94 = tpu.memref_squeeze %dma_start3A_93 : memref<1x128xi32, #tpu.memory_space<vmem>> -> memref<128xi32, #tpu.memory_space<vmem>>
            %dma_start3A_95 = arith.constant 0 : i32
            %dma_start3A_96 = arith.constant 0 : i32
            %dma_start3A_97 = tpu.memref_slice %arg2[%dma_start3A_95, %dma_start3A_96] : memref<10000x128xf32, #tpu.memory_space<hbm>> -> memref<10000x128xf32, #tpu.memory_space<hbm>>
            tpu.enqueue_indirect_dma source(%dma_start3A_97 : memref<10000x128xf32, #tpu.memory_space<hbm>>) target(%arg8 : memref<128x128xf32, #tpu.memory_space<vmem>>) offsets(%dma_start3A_94 : memref<128xi32, #tpu.memory_space<vmem>>) semaphore(%arg11 : memref<!tpu.dma_semaphore, #tpu.memory_space<semaphore_mem>>)
          } else {
          }
          %mul3A_75 = arith.constant 2 : i32
          %mul3A_76 = arith.muli %scan3A_59, %mul3A_75 : i32
          %add3A_77 = arith.constant 1 : i32
          %add3A_78 = arith.addi %mul3A_76, %add3A_77 : i32
          %dma_wait3A_79 = arith.constant 0 : i32
          %dma_wait3A_80 = tpu.memref_slice %arg6[%add3A_78, %dma_wait3A_79] : memref<40x128xi32, #tpu.memory_space<vmem>> -> memref<1x128xi32, #tpu.memory_space<vmem>>
          %dma_wait3A_81 = tpu.memref_squeeze %dma_wait3A_80 : memref<1x128xi32, #tpu.memory_space<vmem>> -> memref<128xi32, #tpu.memory_space<vmem>>
          %dma_wait3A_82 = arith.constant 0 : i32
          %dma_wait3A_83 = arith.constant 0 : i32
          %dma_wait3A_84 = tpu.memref_slice %arg2[%dma_wait3A_82, %dma_wait3A_83] : memref<10000x128xf32, #tpu.memory_space<hbm>> -> memref<10000x128xf32, #tpu.memory_space<hbm>>
          tpu.wait_indirect_dma semaphore(%arg12 : memref<!tpu.dma_semaphore, #tpu.memory_space<semaphore_mem>>) src(%dma_wait3A_84 : memref<10000x128xf32, #tpu.memory_space<hbm>>) dst(%arg9 : memref<128x128xf32, #tpu.memory_space<vmem>>)
          "tpu.region"() ({
            %run_scoped3A = tpu.sem_alloc : memref<!tpu.dma_semaphore, #tpu.memory_space<semaphore_mem>>
            %dma_start3A_92 = arith.constant 0 : i32
            %dma_start3A_93 = tpu.memref_slice %arg7[%add3A_78, %dma_start3A_92] : memref<40x128xi32, #tpu.memory_space<vmem>> -> memref<1x128xi32, #tpu.memory_space<vmem>>
            %dma_start3A_94 = tpu.memref_squeeze %dma_start3A_93 : memref<1x128xi32, #tpu.memory_space<vmem>> -> memref<128xi32, #tpu.memory_space<vmem>>
            %dma_start3A_95 = arith.constant 0 : i32
            %dma_start3A_96 = arith.constant 0 : i32
            %dma_start3A_97 = tpu.memref_slice %arg10[%dma_start3A_95, %dma_start3A_96] : memref<10240x128xf32, #tpu.memory_space<vmem_shared>> -> memref<10240x128xf32, #tpu.memory_space<vmem_shared>>
            tpu.enqueue_indirect_dma source(%arg9 : memref<128x128xf32, #tpu.memory_space<vmem>>) target(%dma_start3A_97 : memref<10240x128xf32, #tpu.memory_space<vmem_shared>>) offsets(%dma_start3A_94 : memref<128xi32, #tpu.memory_space<vmem>>) semaphore(%run_scoped3A : memref<!tpu.dma_semaphore, #tpu.memory_space<semaphore_mem>>) {add = true}
            %dma_wait3A_98 = arith.constant 0 : i32
            %dma_wait3A_99 = tpu.memref_slice %arg7[%add3A_78, %dma_wait3A_98] : memref<40x128xi32, #tpu.memory_space<vmem>> -> memref<1x128xi32, #tpu.memory_space<vmem>>
            %dma_wait3A_100 = tpu.memref_squeeze %dma_wait3A_99 : memref<1x128xi32, #tpu.memory_space<vmem>> -> memref<128xi32, #tpu.memory_space<vmem>>
            %dma_wait3A_101 = arith.constant 0 : i32
            %dma_wait3A_102 = arith.constant 0 : i32
            %dma_wait3A_103 = tpu.memref_slice %arg10[%dma_wait3A_101, %dma_wait3A_102] : memref<10240x128xf32, #tpu.memory_space<vmem_shared>> -> memref<10240x128xf32, #tpu.memory_space<vmem_shared>>
            tpu.wait_indirect_dma semaphore(%run_scoped3A : memref<!tpu.dma_semaphore, #tpu.memory_space<semaphore_mem>>) src(%arg9 : memref<128x128xf32, #tpu.memory_space<vmem>>) dst(%dma_wait3A_103 : memref<10240x128xf32, #tpu.memory_space<vmem_shared>>)
            tpu.yield
          }) : () -> ()
          %add3A_85 = arith.constant 2 : i32
          %add3A_86 = arith.addi %add3A_78, %add3A_85 : i32
          %lt3A_87 = arith.constant 40 : i32
          %lt3A_88 = arith.cmpi slt, %add3A_86, %lt3A_87 : i32
          %convert_element_type3A_89 = arith.extui %lt3A_88 : i1 to i32
          %cond3A_90 = arith.constant 0 : i32
          %cond3A_91 = arith.cmpi ne, %convert_element_type3A_89, %cond3A_90 : i32
          scf.if %cond3A_91 {
            %dma_start3A_92 = arith.constant 0 : i32
            %dma_start3A_93 = tpu.memref_slice %arg6[%add3A_86, %dma_start3A_92] : memref<40x128xi32, #tpu.memory_space<vmem>> -> memref<1x128xi32, #tpu.memory_space<vmem>>
            %dma_start3A_94 = tpu.memref_squeeze %dma_start3A_93 : memref<1x128xi32, #tpu.memory_space<vmem>> -> memref<128xi32, #tpu.memory_space<vmem>>
            %dma_start3A_95 = arith.constant 0 : i32
            %dma_start3A_96 = arith.constant 0 : i32
            %dma_start3A_97 = tpu.memref_slice %arg2[%dma_start3A_95, %dma_start3A_96] : memref<10000x128xf32, #tpu.memory_space<hbm>> -> memref<10000x128xf32, #tpu.memory_space<hbm>>
            tpu.enqueue_indirect_dma source(%dma_start3A_97 : memref<10000x128xf32, #tpu.memory_space<hbm>>) target(%arg9 : memref<128x128xf32, #tpu.memory_space<vmem>>) offsets(%dma_start3A_94 : memref<128xi32, #tpu.memory_space<vmem>>) semaphore(%arg12 : memref<!tpu.dma_semaphore, #tpu.memory_space<semaphore_mem>>)
          } else {
          }
        }
        %scan3A_58 = arith.constant 20 : i32
      }
      %scan3A_37 = arith.constant 4 : i32
    } else {
    }
    %barrier3A_25 = arith.constant 0 : index
    tpu.barrier barrier_id(%barrier3A_25)
    %eq3A_26 = arith.constant 0 : i32
    %eq3A_27 = arith.cmpi eq, %arg0, %eq3A_26 : i32
    %convert_element_type3A_28 = arith.extui %eq3A_27 : i1 to i32
    %cond3A_29 = arith.constant 0 : i32
    %cond3A_30 = arith.cmpi ne, %convert_element_type3A_28, %cond3A_29 : i32
    scf.if %cond3A_30 {
      %mul3A_31 = arith.constant 640 : i32
      %mul3A_32 = arith.muli %arg1, %mul3A_31 : i32
      %mul3A_33 = arith.constant 640 : i32
      %mul3A_34 = arith.muli %arg1, %mul3A_33 : i32
      "tpu.region"() ({
        %run_scoped3A = tpu.sem_alloc : memref<!tpu.dma_semaphore, #tpu.memory_space<semaphore_mem>>
        %dma_start3A = arith.constant 0 : i32
        %dma_start3A_35 = tpu.memref_slice %arg5[%mul3A_34, %dma_start3A] : memref<10240x128xf32, #tpu.memory_space<hbm>> -> memref<640x128xf32, #tpu.memory_space<hbm>>
        %dma_start3A_36 = arith.constant 0 : i32
        %dma_start3A_37 = tpu.memref_slice %arg10[%mul3A_32, %dma_start3A_36] : memref<10240x128xf32, #tpu.memory_space<vmem_shared>> -> memref<640x128xf32, #tpu.memory_space<vmem_shared>>
        tpu.enqueue_dma source(%dma_start3A_37 : memref<640x128xf32, #tpu.memory_space<vmem_shared>>) target(%dma_start3A_35 : memref<640x128xf32, #tpu.memory_space<hbm>>) target_semaphore(%run_scoped3A : memref<!tpu.dma_semaphore, #tpu.memory_space<semaphore_mem>>)
        %dma_wait3A = arith.constant 0 : i32
        %dma_wait3A_38 = tpu.memref_slice %arg5[%mul3A_34, %dma_wait3A] : memref<10240x128xf32, #tpu.memory_space<hbm>> -> memref<640x128xf32, #tpu.memory_space<hbm>>
        %dma_wait3A_39 = arith.constant 0 : i32
        %dma_wait3A_40 = tpu.memref_slice %arg10[%mul3A_32, %dma_wait3A_39] : memref<10240x128xf32, #tpu.memory_space<vmem_shared>> -> memref<640x128xf32, #tpu.memory_space<vmem_shared>>
        tpu.wait_dma2 semaphore(%run_scoped3A : memref<!tpu.dma_semaphore, #tpu.memory_space<semaphore_mem>>) src(%dma_wait3A_40 : memref<640x128xf32, #tpu.memory_space<vmem_shared>>) dst(%dma_wait3A_38 : memref<640x128xf32, #tpu.memory_space<hbm>>)
        tpu.yield
      }) : () -> ()
    } else {
    }
    return
  }
}

module attributes {stable_mosaic.version = 14 : i64} {
  func.func @body(%arg0: memref<10000x16xf32, #tpu.memory_space<vmem>>, %arg1: memref<10000x16xf32, #tpu.memory_space<vmem>>, %arg2: memref<10000x128xf32, #tpu.memory_space<vmem>>, %arg3: memref<10000x128xf32, #tpu.memory_space<vmem>>, %arg4: memref<10000x1xf32, #tpu.memory_space<vmem>>, %arg5: memref<10000x1xf32, #tpu.memory_space<vmem>>) attributes {dimension_semantics = [], scalar_prefetch = 0 : i64, scratch_operands = 0 : i64, tpu.core_type = #tpu.core_type<tc>} {
    %get3A = arith.constant 0 : index
    %get3A_0 = arith.constant 0 : index
    %get3A_1 = vector.load %arg0[%get3A, %get3A_0] : memref<10000x16xf32, #tpu.memory_space<vmem>>, vector<10000x1xf32>
    %get3A_2 = arith.constant 0 : index
    %get3A_3 = arith.constant 0 : index
    %get3A_4 = vector.load %arg1[%get3A_2, %get3A_3] : memref<10000x16xf32, #tpu.memory_space<vmem>>, vector<10000x1xf32>
    %add3A = arith.addf %get3A_1, %get3A_4 : vector<10000x1xf32>
    %add3A_5 = arith.constant 1.000000e+00 : f32
    %add3A_6 = vector.broadcast %add3A_5 : f32 to vector<10000x1xf32>
    %add3A_7 = arith.addf %add3A, %add3A_6 : vector<10000x1xf32>
    %rsqrt3A = math.rsqrt %add3A_7 : vector<10000x1xf32>
    %swap3A = arith.constant 0 : index
    %swap3A_8 = arith.constant 0 : index
    %swap3A_9 = vector.load %arg5[%swap3A, %swap3A_8] : memref<10000x1xf32, #tpu.memory_space<vmem>>, vector<10000x1xf32>
    tpu.vector_store %arg5[%swap3A, %swap3A_8], %add3A_7 {strides = array<i32>} : memref<10000x1xf32, #tpu.memory_space<vmem>>, vector<10000x1xf32>,
    %swap3A_10 = arith.constant 0 : index
    %swap3A_11 = arith.constant 0 : index
    %swap3A_12 = vector.load %arg4[%swap3A_10, %swap3A_11] : memref<10000x1xf32, #tpu.memory_space<vmem>>, vector<10000x1xf32>
    tpu.vector_store %arg4[%swap3A_10, %swap3A_11], %rsqrt3A {strides = array<i32>} : memref<10000x1xf32, #tpu.memory_space<vmem>>, vector<10000x1xf32>,
    %get3A_13 = arith.constant 0 : index
    %get3A_14 = arith.constant 0 : index
    %get3A_15 = vector.load %arg2[%get3A_13, %get3A_14] : memref<10000x128xf32, #tpu.memory_space<vmem>>, vector<10000x128xf32>
    %mul3A = vector.broadcast %rsqrt3A : vector<10000x1xf32> to vector<10000x128xf32>
    %mul3A_16 = arith.mulf %get3A_15, %mul3A : vector<10000x128xf32>
    %swap3A_17 = arith.constant 0 : index
    %swap3A_18 = arith.constant 0 : index
    %swap3A_19 = vector.load %arg3[%swap3A_17, %swap3A_18] : memref<10000x128xf32, #tpu.memory_space<vmem>>, vector<10000x128xf32>
    tpu.vector_store %arg3[%swap3A_17, %swap3A_18], %mul3A_16 {strides = array<i32>} : memref<10000x128xf32, #tpu.memory_space<vmem>>, vector<10000x128xf32>,
    return
  }
}

module attributes {stable_mosaic.version = 14 : i64} {
  func.func @body(%arg0: i32, %arg1: memref<2000x128xf32, #tpu.memory_space<vmem>>, %arg2: memref<2000x128xf32, #tpu.memory_space<vmem>>, %arg3: memref<2000x1xf32, #tpu.memory_space<vmem>>, %arg4: memref<2000x1xf32, #tpu.memory_space<vmem>>, %arg5: memref<128x128xf32, #tpu.memory_space<vmem>>, %arg6: memref<1x128xf32, #tpu.memory_space<vmem>>, %arg7: memref<2000x128xf32, #tpu.memory_space<vmem>>, %arg8: memref<2000x128xf32, #tpu.memory_space<vmem>>) attributes {dimension_semantics = [#tpu.dimension_semantics<arbitrary>], iteration_bounds = array<i64: 5>, scalar_prefetch = 0 : i64, scratch_operands = 0 : i64, tpu.core_type = #tpu.core_type<tc>, window_params = [{transform_indices = @transform_0, window_bounds = array<i64: 2000, 128>}, {transform_indices = @transform_1, window_bounds = array<i64: 2000, 128>}, {transform_indices = @transform_2, window_bounds = array<i64: 2000, 1>}, {transform_indices = @transform_3, window_bounds = array<i64: 2000, 1>}, {pipeline_mode = #tpu.pipeline_mode<synchronous>, transform_indices = @transform_4, window_bounds = array<i64: 128, 128>}, {pipeline_mode = #tpu.pipeline_mode<synchronous>, transform_indices = @transform_5, window_bounds = array<i64: 1, 128>}, {transform_indices = @transform_6, window_bounds = array<i64: 2000, 128>}, {transform_indices = @transform_7, window_bounds = array<i64: 2000, 128>}]} {
    %get3A = arith.constant 0 : index
    %get3A_0 = arith.constant 0 : index
    %get3A_1 = vector.load %arg3[%get3A, %get3A_0] : memref<2000x1xf32, #tpu.memory_space<vmem>>, vector<2000x1xf32>
    %get3A_2 = arith.constant 0 : index
    %get3A_3 = arith.constant 0 : index
    %get3A_4 = vector.load %arg1[%get3A_2, %get3A_3] : memref<2000x128xf32, #tpu.memory_space<vmem>>, vector<2000x128xf32>
    %mul3A = vector.broadcast %get3A_1 : vector<2000x1xf32> to vector<2000x128xf32>
    %mul3A_5 = arith.mulf %mul3A, %get3A_4 : vector<2000x128xf32>
    %get3A_6 = arith.constant 0 : index
    %get3A_7 = arith.constant 0 : index
    %get3A_8 = vector.load %arg2[%get3A_6, %get3A_7] : memref<2000x128xf32, #tpu.memory_space<vmem>>, vector<2000x128xf32>
    %get3A_9 = arith.constant 0 : index
    %get3A_10 = arith.constant 0 : index
    %get3A_11 = vector.load %arg4[%get3A_9, %get3A_10] : memref<2000x1xf32, #tpu.memory_space<vmem>>, vector<2000x1xf32>
    %div3A = vector.broadcast %get3A_11 : vector<2000x1xf32> to vector<2000x128xf32>
    %div3A_12 = arith.divf %get3A_8, %div3A : vector<2000x128xf32>
    %add3A = arith.addf %mul3A_5, %div3A_12 : vector<2000x128xf32>
    %get3A_13 = arith.constant 0 : index
    %get3A_14 = arith.constant 0 : index
    %get3A_15 = vector.load %arg5[%get3A_13, %get3A_14] : memref<128x128xf32, #tpu.memory_space<vmem>>, vector<128x128xf32>
    %dot_general3A = arith.constant dense<0.000000e+00> : vector<2000x128xf32>
    %dot_general3A_16 = tpu.matmul %add3A, %get3A_15, %dot_general3A {dimension_numbers = #tpu.dot_dimension_numbers<[1], [0], [0], [1], [0, 0, 1, 1], [], []>, precision = #tpu.contract_precision<fp32>, transpose_lhs_hint = false} : vector<2000x128xf32>, vector<128x128xf32>, vector<2000x128xf32> -> vector<2000x128xf32>
    %get3A_17 = arith.constant 0 : index
    %get3A_18 = arith.constant 0 : index
    %get3A_19 = vector.load %arg6[%get3A_17, %get3A_18] : memref<1x128xf32, #tpu.memory_space<vmem>>, vector<1x128xf32>
    %add3A_20 = vector.broadcast %get3A_19 : vector<1x128xf32> to vector<2000x128xf32>
    %add3A_21 = arith.addf %dot_general3A_16, %add3A_20 : vector<2000x128xf32>
    %max3A = arith.constant 0.000000e+00 : f32
    %max3A_22 = vector.broadcast %max3A : f32 to vector<2000x128xf32>
    %max3A_23 = arith.maximumf %add3A_21, %max3A_22 : vector<2000x128xf32>
    %swap3A = arith.constant 0 : index
    %swap3A_24 = arith.constant 0 : index
    %swap3A_25 = vector.load %arg7[%swap3A, %swap3A_24] : memref<2000x128xf32, #tpu.memory_space<vmem>>, vector<2000x128xf32>
    tpu.vector_store %arg7[%swap3A, %swap3A_24], %max3A_23 {strides = array<i32>} : memref<2000x128xf32, #tpu.memory_space<vmem>>, vector<2000x128xf32>,
    %get3A_26 = arith.constant 0 : index
    %get3A_27 = arith.constant 0 : index
    %get3A_28 = vector.load %arg3[%get3A_26, %get3A_27] : memref<2000x1xf32, #tpu.memory_space<vmem>>, vector<2000x1xf32>
    %mul3A_29 = vector.broadcast %get3A_28 : vector<2000x1xf32> to vector<2000x128xf32>
    %mul3A_30 = arith.mulf %mul3A_29, %max3A_23 : vector<2000x128xf32>
    %swap3A_31 = arith.constant 0 : index
    %swap3A_32 = arith.constant 0 : index
    %swap3A_33 = vector.load %arg8[%swap3A_31, %swap3A_32] : memref<2000x128xf32, #tpu.memory_space<vmem>>, vector<2000x128xf32>
    tpu.vector_store %arg8[%swap3A_31, %swap3A_32], %mul3A_30 {strides = array<i32>} : memref<2000x128xf32, #tpu.memory_space<vmem>>, vector<2000x128xf32>,
    return
  }
  func.func @transform_0(%arg0: i32) -> (i32, i32) {
    %c0_i32 = arith.constant 0 : i32
    %c0_i32_0 = arith.constant 0 : i32
    return %arg0, %c0_i32 : i32, i32
  }
  func.func @transform_1(%arg0: i32) -> (i32, i32) {
    %c0_i32 = arith.constant 0 : i32
    %c0_i32_0 = arith.constant 0 : i32
    return %arg0, %c0_i32 : i32, i32
  }
  func.func @transform_2(%arg0: i32) -> (i32, i32) {
    %c0_i32 = arith.constant 0 : i32
    %c0_i32_0 = arith.constant 0 : i32
    return %arg0, %c0_i32 : i32, i32
  }
  func.func @transform_3(%arg0: i32) -> (i32, i32) {
    %c0_i32 = arith.constant 0 : i32
    %c0_i32_0 = arith.constant 0 : i32
    return %arg0, %c0_i32 : i32, i32
  }
  func.func @transform_4(%arg0: i32) -> (i32, i32) {
    %c0_i32 = arith.constant 0 : i32
    %c0_i32_0 = arith.constant 0 : i32
    %c0_i32_1 = arith.constant 0 : i32
    return %c0_i32, %c0_i32_0 : i32, i32
  }
  func.func @transform_5(%arg0: i32) -> (i32, i32) {
    %c0_i32 = arith.constant 0 : i32
    %c0_i32_0 = arith.constant 0 : i32
    %c0_i32_1 = arith.constant 0 : i32
    return %c0_i32, %c0_i32_0 : i32, i32
  }
  func.func @transform_6(%arg0: i32) -> (i32, i32) {
    %c0_i32 = arith.constant 0 : i32
    %c0_i32_0 = arith.constant 0 : i32
    return %arg0, %c0_i32 : i32, i32
  }
  func.func @transform_7(%arg0: i32) -> (i32, i32) {
    %c0_i32 = arith.constant 0 : i32
    %c0_i32_0 = arith.constant 0 : i32
    return %arg0, %c0_i32 : i32, i32
  }
}

module attributes {stable_mosaic.version = 14 : i64} {
  func.func @body(%arg0: i32, %arg1: memref<2000x128xf32, #tpu.memory_space<vmem>>, %arg2: memref<2000x128xf32, #tpu.memory_space<vmem>>, %arg3: memref<2000x1xf32, #tpu.memory_space<vmem>>, %arg4: memref<2000x1xf32, #tpu.memory_space<vmem>>, %arg5: memref<128x128xf32, #tpu.memory_space<vmem>>, %arg6: memref<1x128xf32, #tpu.memory_space<vmem>>, %arg7: memref<128x1xf32, #tpu.memory_space<vmem>>, %arg8: memref<1x1xf32, #tpu.memory_space<vmem>>, %arg9: memref<1x1x2000xi32, #tpu.memory_space<vmem>>, %arg10: memref<64x1xf32, #tpu.memory_space<vmem>>, %arg11: memref<64x128xf32, #tpu.memory_space<vmem>>, %arg12: memref<64x1xf32, #tpu.memory_space<vmem>>) attributes {dimension_semantics = [#tpu.dimension_semantics<arbitrary>], iteration_bounds = array<i64: 5>, scalar_prefetch = 0 : i64, scratch_operands = 2 : i64, tpu.core_type = #tpu.core_type<tc>, window_params = [{transform_indices = @transform_0, window_bounds = array<i64: 2000, 128>}, {transform_indices = @transform_1, window_bounds = array<i64: 2000, 128>}, {transform_indices = @transform_2, window_bounds = array<i64: 2000, 1>}, {transform_indices = @transform_3, window_bounds = array<i64: 2000, 1>}, {pipeline_mode = #tpu.pipeline_mode<synchronous>, transform_indices = @transform_4, window_bounds = array<i64: 128, 128>}, {pipeline_mode = #tpu.pipeline_mode<synchronous>, transform_indices = @transform_5, window_bounds = array<i64: 1, 128>}, {pipeline_mode = #tpu.pipeline_mode<synchronous>, transform_indices = @transform_6, window_bounds = array<i64: 128, 1>}, {pipeline_mode = #tpu.pipeline_mode<synchronous>, transform_indices = @transform_7, window_bounds = array<i64: 1, 1>}, {transform_indices = @transform_8, window_bounds = array<i64: 1, 1, 2000>}, {pipeline_mode = #tpu.pipeline_mode<synchronous>, transform_indices = @transform_9, window_bounds = array<i64: 64, 1>}]} {
    %get3A = arith.constant 0 : index
    %get3A_0 = arith.constant 0 : index
    %get3A_1 = vector.load %arg3[%get3A, %get3A_0] : memref<2000x1xf32, #tpu.memory_space<vmem>>, vector<2000x1xf32>
    %get3A_2 = arith.constant 0 : index
    %get3A_3 = arith.constant 0 : index
    %get3A_4 = vector.load %arg1[%get3A_2, %get3A_3] : memref<2000x128xf32, #tpu.memory_space<vmem>>, vector<2000x128xf32>
    %mul3A = vector.broadcast %get3A_1 : vector<2000x1xf32> to vector<2000x128xf32>
    %mul3A_5 = arith.mulf %mul3A, %get3A_4 : vector<2000x128xf32>
    %get3A_6 = arith.constant 0 : index
    %get3A_7 = arith.constant 0 : index
    %get3A_8 = vector.load %arg2[%get3A_6, %get3A_7] : memref<2000x128xf32, #tpu.memory_space<vmem>>, vector<2000x128xf32>
    %get3A_9 = arith.constant 0 : index
    %get3A_10 = arith.constant 0 : index
    %get3A_11 = vector.load %arg4[%get3A_9, %get3A_10] : memref<2000x1xf32, #tpu.memory_space<vmem>>, vector<2000x1xf32>
    %div3A = vector.broadcast %get3A_11 : vector<2000x1xf32> to vector<2000x128xf32>
    %div3A_12 = arith.divf %get3A_8, %div3A : vector<2000x128xf32>
    %add3A = arith.addf %mul3A_5, %div3A_12 : vector<2000x128xf32>
    %get3A_13 = arith.constant 0 : index
    %get3A_14 = arith.constant 0 : index
    %get3A_15 = vector.load %arg5[%get3A_13, %get3A_14] : memref<128x128xf32, #tpu.memory_space<vmem>>, vector<128x128xf32>
    %dot_general3A = arith.constant dense<0.000000e+00> : vector<2000x128xf32>
    %dot_general3A_16 = tpu.matmul %add3A, %get3A_15, %dot_general3A {dimension_numbers = #tpu.dot_dimension_numbers<[1], [0], [0], [1], [0, 0, 1, 1], [], []>, precision = #tpu.contract_precision<fp32>, transpose_lhs_hint = false} : vector<2000x128xf32>, vector<128x128xf32>, vector<2000x128xf32> -> vector<2000x128xf32>
    %get3A_17 = arith.constant 0 : index
    %get3A_18 = arith.constant 0 : index
    %get3A_19 = vector.load %arg6[%get3A_17, %get3A_18] : memref<1x128xf32, #tpu.memory_space<vmem>>, vector<1x128xf32>
    %add3A_20 = vector.broadcast %get3A_19 : vector<1x128xf32> to vector<2000x128xf32>
    %add3A_21 = arith.addf %dot_general3A_16, %add3A_20 : vector<2000x128xf32>
    %iota3A = tpu.iota {dimensions = array<i32: 0>} : vector<64x2000xi32>
    %get3A_22 = arith.constant 0 : index
    %get3A_23 = arith.constant 0 : index
    %get3A_24 = arith.constant 0 : index
    %get3A_25 = vector.load %arg9[%get3A_22, %get3A_23, %get3A_24] : memref<1x1x2000xi32, #tpu.memory_space<vmem>>, vector<1x1x2000xi32>
    %get3A_26 = vector.shape_cast %get3A_25 : vector<1x1x2000xi32> to vector<1x2000xi32>
    %eq3A = vector.broadcast %get3A_26 : vector<1x2000xi32> to vector<64x2000xi32>
    %eq3A_27 = arith.cmpi eq, %eq3A, %iota3A : vector<64x2000xi32>
    %jit3A = arith.constant 1.000000e+00 : f32
    %jit3A_28 = arith.constant 0.000000e+00 : f32
    %broadcast_in_dim3A = vector.broadcast %jit3A : f32 to vector<64x2000xf32>
    %broadcast_in_dim3A_29 = vector.broadcast %jit3A_28 : f32 to vector<64x2000xf32>
    %select_n3A = arith.select %eq3A_27, %broadcast_in_dim3A, %broadcast_in_dim3A_29 : vector<64x2000xi1>, vector<64x2000xf32>
    %dot_general3A_30 = arith.constant dense<0.000000e+00> : vector<64x128xf32>
    %dot_general3A_31 = tpu.matmul %select_n3A, %add3A_21, %dot_general3A_30 {dimension_numbers = #tpu.dot_dimension_numbers<[1], [0], [0], [1], [0, 0, 1, 1], [], []>, precision = #tpu.contract_precision<fp32>, transpose_lhs_hint = false} : vector<64x2000xf32>, vector<2000x128xf32>, vector<64x128xf32> -> vector<64x128xf32>
    %reduce_sum3A = arith.constant dense<0.000000e+00> : vector<64xf32>
    %reduce_sum3A_32 = vector.multi_reduction <add>, %select_n3A, %reduce_sum3A [1] : vector<64x2000xf32> to vector<64xf32>
    %broadcast_in_dim3A_33 = vector.shape_cast %reduce_sum3A_32 : vector<64xf32> to vector<64x1xf32>
    %eq3A_34 = arith.constant 0 : i32
    %eq3A_35 = arith.cmpi eq, %arg0, %eq3A_34 : i32
    %convert_element_type3A = arith.extui %eq3A_35 : i1 to i32
    %cond3A = arith.constant 0 : i32
    %cond3A_36 = arith.cmpi ne, %convert_element_type3A, %cond3A : i32
    scf.if %cond3A_36 {
      %broadcast_in_dim3A_55 = arith.constant 0.000000e+00 : f32
      %broadcast_in_dim3A_56 = vector.broadcast %broadcast_in_dim3A_55 : f32 to vector<64x128xf32>
      %swap3A_57 = arith.constant 0 : index
      %swap3A_58 = arith.constant 0 : index
      %swap3A_59 = vector.load %arg11[%swap3A_57, %swap3A_58] : memref<64x128xf32, #tpu.memory_space<vmem>>, vector<64x128xf32>
      tpu.vector_store %arg11[%swap3A_57, %swap3A_58], %broadcast_in_dim3A_56 {strides = array<i32>} : memref<64x128xf32, #tpu.memory_space<vmem>>, vector<64x128xf32>,
      %broadcast_in_dim3A_60 = arith.constant 0.000000e+00 : f32
      %broadcast_in_dim3A_61 = vector.broadcast %broadcast_in_dim3A_60 : f32 to vector<64x1xf32>
      %swap3A_62 = arith.constant 0 : index
      %swap3A_63 = arith.constant 0 : index
      %swap3A_64 = vector.load %arg12[%swap3A_62, %swap3A_63] : memref<64x1xf32, #tpu.memory_space<vmem>>, vector<64x1xf32>
      tpu.vector_store %arg12[%swap3A_62, %swap3A_63], %broadcast_in_dim3A_61 {strides = array<i32>} : memref<64x1xf32, #tpu.memory_space<vmem>>, vector<64x1xf32>,
    } else {
    }
    %get3A_37 = arith.constant 0 : index
    %get3A_38 = arith.constant 0 : index
    %get3A_39 = vector.load %arg11[%get3A_37, %get3A_38] : memref<64x128xf32, #tpu.memory_space<vmem>>, vector<64x128xf32>
    %add3A_40 = arith.addf %get3A_39, %dot_general3A_31 : vector<64x128xf32>
    %swap3A = arith.constant 0 : index
    %swap3A_41 = arith.constant 0 : index
    %swap3A_42 = vector.load %arg11[%swap3A, %swap3A_41] : memref<64x128xf32, #tpu.memory_space<vmem>>, vector<64x128xf32>
    tpu.vector_store %arg11[%swap3A, %swap3A_41], %add3A_40 {strides = array<i32>} : memref<64x128xf32, #tpu.memory_space<vmem>>, vector<64x128xf32>,
    %get3A_43 = arith.constant 0 : index
    %get3A_44 = arith.constant 0 : index
    %get3A_45 = vector.load %arg12[%get3A_43, %get3A_44] : memref<64x1xf32, #tpu.memory_space<vmem>>, vector<64x1xf32>
    %add3A_46 = arith.addf %get3A_45, %broadcast_in_dim3A_33 : vector<64x1xf32>
    %swap3A_47 = arith.constant 0 : index
    %swap3A_48 = arith.constant 0 : index
    %swap3A_49 = vector.load %arg12[%swap3A_47, %swap3A_48] : memref<64x1xf32, #tpu.memory_space<vmem>>, vector<64x1xf32>
    tpu.vector_store %arg12[%swap3A_47, %swap3A_48], %add3A_46 {strides = array<i32>} : memref<64x1xf32, #tpu.memory_space<vmem>>, vector<64x1xf32>,
    %eq3A_50 = arith.constant 4 : i32
    %eq3A_51 = arith.cmpi eq, %arg0, %eq3A_50 : i32
    %convert_element_type3A_52 = arith.extui %eq3A_51 : i1 to i32
    %cond3A_53 = arith.constant 0 : i32
    %cond3A_54 = arith.cmpi ne, %convert_element_type3A_52, %cond3A_53 : i32
    scf.if %cond3A_54 {
      %get3A_55 = arith.constant 0 : index
      %get3A_56 = arith.constant 0 : index
      %get3A_57 = vector.load %arg11[%get3A_55, %get3A_56] : memref<64x128xf32, #tpu.memory_space<vmem>>, vector<64x128xf32>
      %get3A_58 = arith.constant 0 : index
      %get3A_59 = arith.constant 0 : index
      %get3A_60 = vector.load %arg12[%get3A_58, %get3A_59] : memref<64x1xf32, #tpu.memory_space<vmem>>, vector<64x1xf32>
      %max3A = arith.constant 1.000000e+00 : f32
      %max3A_61 = vector.broadcast %max3A : f32 to vector<64x1xf32>
      %max3A_62 = arith.maximumf %get3A_60, %max3A_61 : vector<64x1xf32>
      %div3A_63 = vector.broadcast %max3A_62 : vector<64x1xf32> to vector<64x128xf32>
      %div3A_64 = arith.divf %get3A_57, %div3A_63 : vector<64x128xf32>
      %get3A_65 = arith.constant 0 : index
      %get3A_66 = arith.constant 0 : index
      %get3A_67 = vector.load %arg7[%get3A_65, %get3A_66] : memref<128x1xf32, #tpu.memory_space<vmem>>, vector<128x1xf32>
      %dot_general3A_68 = arith.constant dense<0.000000e+00> : vector<64x1xf32>
      %dot_general3A_69 = tpu.matmul %div3A_64, %get3A_67, %dot_general3A_68 {dimension_numbers = #tpu.dot_dimension_numbers<[1], [0], [0], [1], [0, 0, 1, 1], [], []>, precision = #tpu.contract_precision<fp32>, transpose_lhs_hint = false} : vector<64x128xf32>, vector<128x1xf32>, vector<64x1xf32> -> vector<64x1xf32>
      %get3A_70 = arith.constant 0 : index
      %get3A_71 = arith.constant 0 : index
      %get3A_72 = vector.load %arg8[%get3A_70, %get3A_71] : memref<1x1xf32, #tpu.memory_space<vmem>>, vector<1x1xf32>
      %add3A_73 = vector.broadcast %get3A_72 : vector<1x1xf32> to vector<64x1xf32>
      %add3A_74 = arith.addf %dot_general3A_69, %add3A_73 : vector<64x1xf32>
      %swap3A_75 = arith.constant 0 : index
      %swap3A_76 = arith.constant 0 : index
      %swap3A_77 = vector.load %arg10[%swap3A_75, %swap3A_76] : memref<64x1xf32, #tpu.memory_space<vmem>>, vector<64x1xf32>
      tpu.vector_store %arg10[%swap3A_75, %swap3A_76], %add3A_74 {strides = array<i32>} : memref<64x1xf32, #tpu.memory_space<vmem>>, vector<64x1xf32>,
    } else {
    }
    return
  }
  func.func @transform_0(%arg0: i32) -> (i32, i32) {
    %c0_i32 = arith.constant 0 : i32
    %c0_i32_0 = arith.constant 0 : i32
    return %arg0, %c0_i32 : i32, i32
  }
  func.func @transform_1(%arg0: i32) -> (i32, i32) {
    %c0_i32 = arith.constant 0 : i32
    %c0_i32_0 = arith.constant 0 : i32
    return %arg0, %c0_i32 : i32, i32
  }
  func.func @transform_2(%arg0: i32) -> (i32, i32) {
    %c0_i32 = arith.constant 0 : i32
    %c0_i32_0 = arith.constant 0 : i32
    return %arg0, %c0_i32 : i32, i32
  }
  func.func @transform_3(%arg0: i32) -> (i32, i32) {
    %c0_i32 = arith.constant 0 : i32
    %c0_i32_0 = arith.constant 0 : i32
    return %arg0, %c0_i32 : i32, i32
  }
  func.func @transform_4(%arg0: i32) -> (i32, i32) {
    %c0_i32 = arith.constant 0 : i32
    %c0_i32_0 = arith.constant 0 : i32
    %c0_i32_1 = arith.constant 0 : i32
    return %c0_i32, %c0_i32_0 : i32, i32
  }
  func.func @transform_5(%arg0: i32) -> (i32, i32) {
    %c0_i32 = arith.constant 0 : i32
    %c0_i32_0 = arith.constant 0 : i32
    %c0_i32_1 = arith.constant 0 : i32
    return %c0_i32, %c0_i32_0 : i32, i32
  }
  func.func @transform_6(%arg0: i32) -> (i32, i32) {
    %c0_i32 = arith.constant 0 : i32
    %c0_i32_0 = arith.constant 0 : i32
    %c0_i32_1 = arith.constant 0 : i32
    return %c0_i32, %c0_i32_0 : i32, i32
  }
  func.func @transform_7(%arg0: i32) -> (i32, i32) {
    %c0_i32 = arith.constant 0 : i32
    %c0_i32_0 = arith.constant 0 : i32
    %c0_i32_1 = arith.constant 0 : i32
    return %c0_i32, %c0_i32_0 : i32, i32
  }
  func.func @transform_8(%arg0: i32) -> (i32, i32, i32) {
    %c0_i32 = arith.constant 0 : i32
    %c0_i32_0 = arith.constant 0 : i32
    %c0_i32_1 = arith.constant 0 : i32
    return %arg0, %c0_i32, %c0_i32_0 : i32, i32, i32
  }
  func.func @transform_9(%arg0: i32) -> (i32, i32) {
    %c0_i32 = arith.constant 0 : i32
    %c0_i32_0 = arith.constant 0 : i32
    %c0_i32_1 = arith.constant 0 : i32
    return %c0_i32, %c0_i32_0 : i32, i32
  }
}

</mosaic_0001>

<sc_bundles>
// kernel: kernel.11.cloned.1.call-start
scs
__scs_entry_jumppad:
0x0: {  	(pc) =	sbr.rel $0x88, $3  }
0x1: {  	(tag) =	ssettag $0x0;
	lr =	simm.s32 $0x1  }
0x2: {  	[smem:$0x3F98] =	sst lr;
	_ =	strace $0xD0000000  }
0x3: {  	_ = 	snop  }
0x4: {  	_ = 	snop  }
0x5: {  	_ = 	snop  }
0x6: {  	_ = 	snop  }
0x7: {  	_ = 	snop  }
__scs_overlays_trampoline_lowered:
0x8: {  	[smem:$0x3FA7] =	sst s0  }
0x9: {  	[smem:$0x3FA8] =	sst s1  }
0xa: {  	[smem:$0x3FA9] =	sst s2  }
0xb: {  	[smem:$0x3FAA] =	sst s3  }
0xc: {  	[smem:$0x3FAB] =	sst s4  }
0xd: {  	[smem:$0x3FAC] =	sst s5  }
0xe: {  	[smem:$0x3FAD] =	sst s6  }
0xf: {  	[smem:$0x3FAE] =	sst s7  }
0x10: {  	[smem:$0x3FAF] =	sst s8  }
0x11: {  	[smem:$0x3FB0] =	sst s9;
	s0 =	simm.s32 @!p0 $0x0  }
0x12: {  	s1 =	sld [smem:$0x3F96];
	s0 =	simm.s32 @p0 $0x1  }
0x13: {  	[smem:$0x3FB1] =	sst s0;
	s0 =	simm.s32 @!p1 $0x0  }
0x14: {  	s2 =	sld [smem:$0x3F95];
	s0 =	simm.s32 @p1 $0x1  }
0x15: {  	[smem:$0x3FB2] =	sst s0;
	s0 =	simm.s32 @!p2 $0x0  }
0x16: {  	s3 =	sld [smem:$0x3FDB];
	s0 =	simm.s32 @p2 $0x1  }
0x17: {  	s4 =	simm.s32 $0x1BF5;
	[smem:$0x3FB4] =	sst s0  }
0x18: {  	s0 =	sld [smem:$0x3F97];
	_ =	swait.ge [sflag:s4], $0x0  }
0x19: {  	s7 =	sld [smem:$0x3F98]  }
0x1a: {  	s8 =	sadd.s32 $0xFFFFE003, lr  }
0x1b: {  	s9 =	sadd.s32 $0xFFFFFEF7, lr;
	s5 =	simm.s32 $0xFFFFFFFF;
	p2 =	slt.u32 s8, $0xFFFFF086  }
0x1c: {  	p1 =	slt.u32 s9, $0xF7A;
	s5 =	simm.s32 @!p2 $0x0  }
0x1d: {  	s5 =	simm.s32 @p1 $0x1;
	p0 =	seq.s32 s7, s2  }
0x1e: {  	s7 =	smul.u32 @!p0 $0xF7A, s2;
	p2 =	seq.s32 @!p0 s5, $0x0  }
0x1f: {  	s9 =	smul.u32 $0xF7A, s1;
	s8 =	simm.s32 @!p0 $0x1BF5;
	p2 =	por !p2, p0  }
0x20: {  	[sflag:s8] =	ssyncset.s32 @!p0 $0xFFFFF086;
	s6 =	sadd.s32 @!p0 s3, s7;
	s7 =	simm.s32 @!p0 $0x108  }
0x21: {  	s3 =	sadd.s32 s3, s9;
	s6 =	sadd.s32 @!p0 $0x88, s6;
	s7 =	simm.s32 @p2 $0x1082  }
0x22: {  	[simem:s7], [sflag:s8] =	dma.local @!p0 [hbm:s6], $0xF7A  }
0x23: {  	s9 =	sor.u32 $0xD0000000, s2;
	s6 =	simm.s32 $0x108;
	_ =	swait.ge @!p0 [sflag:s8], $0x0  }
0x24: {  	s3 =	sadd.s32 $0x88, s3;
	s6 =	simm.s32 @!p1 $0x1082;
	[sflag:s4] =	ssyncset.s32 $0xFFFFF086  }
0x25: {  	[simem:s6], [sflag:s4] =	dma.local [hbm:s3], $0xF7A  }
0x26: {  	[smem:$0x3F98] =	sst s1;
	(tag) =	ssettag s2;
	_ =	strace s9  }
0x27: {  	s1 =	sld [smem:$0x3FA8]  }
0x28: {  	s2 =	sld [smem:$0x3FA9]  }
0x29: {  	s4 =	sld [smem:$0x3FAB]  }
0x2a: {  	p0 =	seq.s32 s5, $0x0;
	s5 =	sld [smem:$0x3FAC]  }
0x2b: {  	s6 =	sld [smem:$0x3FAD]  }
0x2c: {  	s7 =	sld [smem:$0x3FAE]  }
0x2d: {  	s3 =	simm.s32 $0x108;
	s8 =	sld [smem:$0x3FAF]  }
0x2e: {  	s3 =	simm.s32 @!p0 $0x1082;
	s9 =	sld [smem:$0x3FB0]  }
0x2f: {  	lr =	sadd.s32 s0, s3;
	s0 =	sld [smem:$0x3FA7]  }
0x30: {  	s3 =	sld [smem:$0x3FAA]  }
0x31: {  	[smem:$0x3FB3] =	sst s10  }
0x32: {  	s10 =	sld [smem:$0x3FB1];
	_ =	sdelay $0x3  }
0x33: {  	p0 =	seq.s32 s10, $0x1;
	s10 =	sld [smem:$0x3FB3];
	_ =	sdelay $0x3  }
0x34: {  	[smem:$0x3FB3] =	sst s10  }
0x35: {  	s10 =	sld [smem:$0x3FB2];
	_ =	sdelay $0x3  }
0x36: {  	p1 =	seq.s32 s10, $0x1;
	s10 =	sld [smem:$0x3FB3];
	_ =	sdelay $0x3  }
0x37: {  	[smem:$0x3FB3] =	sst s10  }
0x38: {  	s10 =	sld [smem:$0x3FB4]  }
0x39: {  	_ = 	snop;
	(pc) =	sbr.ind lr, $3  }
0x3a: {  	_ = 	snop  }
0x3b: {  	_ = 	snop  }
0x3c: {  	p2 =	seq.s32 s10, $0x1;
	s10 =	sld [smem:$0x3FB3]  }
0x3d: {  	_ =	shalt  }
0x3e: {  	_ =	shalt  }
0x3f: {  	_ =	shalt  }
0x40: {  	_ =	shalt  }
0x41: {  	_ =	shalt  }
0x42: {  	_ =	shalt  }
0x43: {  	_ =	shalt  }
0x44: {  	_ =	shalt  }
0x45: {  	_ =	shalt  }
0x46: {  	_ =	shalt  }
0x47: {  	_ =	shalt  }
0x48: {  	_ =	shalt  }
0x49: {  	_ =	shalt  }
0x4a: {  	_ =	shalt  }
0x4b: {  	_ =	shalt  }
0x4c: {  	_ =	shalt  }
0x4d: {  	_ =	shalt  }
0x4e: {  	_ =	shalt  }
0x4f: {  	_ =	shalt  }
0x50: {  	_ =	shalt  }
0x51: {  	_ =	shalt  }
0x52: {  	_ =	shalt  }
0x53: {  	_ =	shalt  }
0x54: {  	_ =	shalt  }
0x55: {  	_ =	shalt  }
0x56: {  	_ =	shalt  }
0x57: {  	_ =	shalt  }
0x58: {  	_ =	shalt  }
0x59: {  	_ =	shalt  }
0x5a: {  	_ =	shalt  }
0x5b: {  	_ =	shalt  }
0x5c: {  	_ =	shalt  }
0x5d: {  	_ =	shalt  }
0x5e: {  	_ =	shalt  }
0x5f: {  	_ =	shalt  }
0x60: {  	_ =	shalt  }
0x61: {  	_ =	shalt  }
0x62: {  	_ =	shalt  }
0x63: {  	_ =	shalt  }
0x64: {  	_ =	shalt  }
0x65: {  	_ =	shalt  }
0x66: {  	_ =	shalt  }
0x67: {  	_ =	shalt  }
0x68: {  	_ =	shalt  }
0x69: {  	_ =	shalt  }
0x6a: {  	_ =	shalt  }
0x6b: {  	_ =	shalt  }
0x6c: {  	_ =	shalt  }
0x6d: {  	_ =	shalt  }
0x6e: {  	_ =	shalt  }
0x6f: {  	_ =	shalt  }
0x70: {  	_ =	shalt  }
0x71: {  	_ =	shalt  }
0x72: {  	_ =	shalt  }
0x73: {  	_ =	shalt  }
0x74: {  	_ =	shalt  }
0x75: {  	_ =	shalt  }
0x76: {  	_ =	shalt  }
0x77: {  	_ =	shalt  }
0x78: {  	_ =	shalt  }
0x79: {  	_ =	shalt  }
0x7a: {  	_ =	shalt  }
0x7b: {  	_ =	shalt  }
0x7c: {  	_ =	shalt  }
0x7d: {  	_ =	shalt  }
0x7e: {  	_ =	shalt  }
0x7f: {  	_ =	shalt  }
0x80: {  	_ =	shalt  }
0x81: {  	_ =	shalt  }
0x82: {  	_ =	shalt  }
0x83: {  	_ =	shalt  }
0x84: {  	_ =	shalt  }
0x85: {  	_ =	shalt  }
0x86: {  	_ =	shalt  }
0x87: {  	_ =	shalt  }
.Lfunc_end0:
.L_simem_size_0:
called_computation.1_lowered:
.L_overlay_start_0:
0x88: {  	s2 =	sld [smem:$0x3FD9]  }
0x89: {  	s3 =	sld [smem:$0x3FFE];
	_ =	sdelay $0x1  }
0x8a: {  	s1 =	srdreg.scid  }
0x8b: {  	s0 =	sand.u32 $0x1, s1  }
0x8c: {  	s16 =	sshll.u32 s0, $0xA;
	s2 =	sadd.s32 s3, s2  }
0x8d: {  	s2 =	sadd.s32 s2, s16  }
0x8e: {  	[smem:$0x3FBF] =	sst s2  }
0x8f: {  	_ = 	snop  }
0x90: {  	(tm) =	ssettm $0x1  }
0x91: {  	s17 =	sld [smem:$0x3FFB];
	_ =	sdelay $0x3  }
0x92: {  	_ =	strace s17  }
0x93: {  	s2 =	sld [smem:$0x3FFC];
	_ =	sdelay $0x3  }
0x94: {  	_ =	strace s2  }
0x95: {  	s2 =	sld [smem:$0x3FFD];
	_ =	sdelay $0x3  }
0x96: {  	_ =	strace s2  }
0x97: {  	_ =	strace $0x8FFFFFFF  }
0x98: {  	s18 =	sld [smem:$0x3FDB];
	_ =	sdelay $0x1  }
0x99: {  	s19 =	simm.s32 $_scs_section_size  }
0x9a: {  	s4 =	simm.s32 $_size__tile_overlayer_lowered;
	s5 =	simm.s32 $_tile_overlayer_lowered  }
0x9b: {  	s22 =	simm.s32 $0x1BFF;
	s21 =	sshll.u32 s5, $0x1;
	s2 =	sadd.s32 s19, s18  }
0x9c: {  	s6 =	simm.s32 $0x0;
	s20 =	sshll.u32 s4, $0x1;
	s4 =	sadd.s32 s21, s2  }
0x9d: {  	[timem:s6], [sflag:s22] =	dma.local [hbm:s4], s20  }
0x9e: {  	_ =	swait.ge [sflag:s22], s20  }
0x9f: {  	s3 =	ssub.s32 $0x0, s20;
	[sflag:s22] =	ssyncset.done $0x0  }
0xa0: {  	[sflag:s22] =	ssyncadd.s32 s3;
	_ =	sdelay $0x1  }
0xa1: {  	s23 =	simm.s32 $0x1B8B  }
0xa2: {  	_ =	swait.ge [sflag:s23], $0x1  }
0xa3: {  	[sflag:s23] =	ssyncset.done $0x0  }
0xa4: {  	s25 =	simm.s32 $0x1B8E;
	s24 =	sld [smem:$0x3FFE];
	[sflag:s23] =	ssyncadd.s32 $0xFFFFFFFF  }
0xa5: {  	s26 =	simm.s32 $execute0_lowered;
	[smem:$0x3FD2] =	sst s25  }
0xa6: {  	s4 =	sshll.u32 s26, $0x1;
	_ =	strace $0x80000049;
	[dreg:$0x1] =	wrdreg $0xFFFFFFFF  }
0xa7: {  	s28 =	simm.s32 $_size_execute0_lowered;
	s2 =	sadd.s32 s2, s4;
	[dreg:$0x0] =	wrdreg $0x0  }
0xa8: {  	s4 =	sshll.u32 s28, $0x1;
	[dreg:$0x2] =	wrdreg s2  }
0xa9: {  	[dreg:$0x3] =	wrdreg s4  }
0xaa: {  	[dreg:$0x4] =	wrdreg $0xC0  }
0xab: {  	_ =	task [dreg:s6], $0x5FFFF  }
0xac: {  	[dreg:$0x1] =	wrdreg $0xFFFFFFFF  }
0xad: {  	[dreg:$0x0] =	wrdreg $0x60  }
0xae: {  	[dreg:$0x2] =	wrdreg s24  }
0xaf: {  	[dreg:$0x3] =	wrdreg $0xA8000  }
0xb0: {  	[dreg:$0x4] =	wrdreg $0x9  }
0xb1: {  	_ =	task.clear_ibuf [dreg:s6], $0x5FFFF;
	_ =	strace $0x90000049  }
0xb2: {  	s29 =	simm.s32 $0x9;
	_ =	strace $0x8000004B  }
0xb3: {  	_ =	swait.ge [sflag:s29], $0x1  }
0xb4: {  	[sflag:s29] =	ssyncadd.s32 $0xFFFFFFFF  }
0xb5: {  	_ =	strace $0x9000004B  }
0xb6: {  	_ =	sfence  }
0xb7: {  	s30 =	sld [smem:$0x0];
	_ =	sdelay $0x2  }
0xb8: {  	s31 =	sshll.u32 s1, $0xD;
	s1 =	sshrl.u32 s1, $0x2  }
0xb9: {  	s3 =	sand.u32 $0x4000, s31;
	s1 =	sadd.s32 s1, s30  }
0xba: {  	s0 =	sor.u32 s3, s0;
	s1 =	sshll.u32 s1, $0x11  }
0xbb: {  	s0 =	sor.u32 s1, s0  }
0xbc: {  	s0 =	sadd.s32 $0x8F2B, s0  }
0xbd: {  	[sflag:s0] =	ssyncadd.remote.s32 $0x1  }
0xbe: {  	_ =	sfence.sel $0xFFFF  }
0xbf: {  	[dreg:$0x0] =	wrdreg $0xFFFFFFFF;
	(pc) =	sbr.abs _section_cstart, $3  }
0xc0: {  	[dreg:$0x1] =	wrdreg $0xFFFFFFFF  }
0xc1: {  	_ =	task.clear_ibuf [dreg:s6], $0x2FFFF;
	_ =	strace $0x9FFFFFFF  }
0xc2: {  	(tm) =	ssettm $0x7FFFFFFF  }
0xc3: {  	_ =	shalt  }
tec
execute0_lowered:
.L_overlay_start_1:
0x0: {  	(tag) =	ssettag $0x1  }
0x1: {  	s7 =	rddreg [dreg:$0x0]  }
0x2: {  	s1 =	rddreg [dreg:$0x1]  }
0x3: {  	s0 =	rddreg [dreg:$0x2];
	s3 =	simm.s32 $0x0;
	s2 =	stileid.u32  }
0x4: {  	s6 =	srdreg.scid;
	s16 =	simm.s32 $0x3;
	s17 =	simm.s32 $0x1400  }
0x5: {  	s18 =	simm.s32 $0x80;
	s19 =	simm.s32 $0x6800;
	s20 =	simm.s32 $0x1  }
0x6: {  	s21 =	simm.s32 $0x2;
	s22 =	simm.s32 $0x2700;
	s23 =	simm.s32 $0x2780  }
0x7: {  	[smem:$0x7FF] =	sst s3;
	s4 =	sadd.s32 $0xD600, s7;
	s8 =	smul.u32 $0x50000, s2  }
0x8: {  	s5 =	sadd.s32 $0x5D600, s7;
	s9 =	smul.u32 $0x2800, s2;
	s15 =	sand.u32 $0x1, s6  }
0x9: {  	s6 =	sadd.s32 $0x3600, s7;
	s12 =	sshll.u32 s2, $0x2;
	_ =	strace $0x8000004A  }
.Ltmp0:
0xa: {  	s10 =	ssub.s32 $0x2, s15;
	p0 =	sne.s32 s15, $0x0;
	(pc) =	sbr.rel .LBB2_1-.Ltmp0, $4  }
0xb: {  	s15 =	simm.s32 $0x2800;
	s8 =	sshrl.u32 s8, $0x2;
	s31 =	sshrl.u32 s10, $0x1  }
0xc: {  	s13 =	sadd.s32 s9, s7;
	s7 =	sadd.s32 s8, s1;
	s14 =	ssub.s32 s10, s31  }
0xd: {  	s13 =	sadd.s32 $0x8E800, s13;
	s8 =	sadd.s32 $0x4000, s7;
	s9 =	sadd.s32 $0x8000, s7  }
0xe: {  	v0 =	vimm.f32 $0.0e+00;
	s10 =	sadd.s32 $0xC000, s7;
	s11 =	sadd.s32 $0x10000, s7;
	s14 =	smax.u32 s14, $0x1  }
.LBB2_8:
0xf: {  	[bflag:$0x0] =	sbarrier.arrive $0xFFFF  }
.LBB2_9:
0x10: {  	s3 =	sadd.s32 $0x1, s3  }
0x11: {  	p1 =	sne.s32 s3, s14  }
.Ltmp1:
0x12: {  	_ = 	snop;
	(pc) =	sbr.rel @!p1 .LBB2_10-.Ltmp1, $1  }
0x13: {  	_ =	sdelay $0x3  }
.LBB2_1:
0x14: {  	s24 =	simm.s32 $0x0;
	s25 =	simm.s32 $0x200  }
.LBB2_2:
0x15: {  	p1 =	sne.s32 s25, $0xFE00;
	[tilespmem:s24+$0x2870] =	vst v0  }
0x16: {  	[tilespmem:s24+$0x2800] =	vst v0  }
0x17: {  	[tilespmem:s24+$0x2810] =	vst v0  }
.Ltmp2:
0x18: {  	[tilespmem:s24+$0x2820] =	vst v0;
	(pc) =	sbr.rel @p1 .LBB2_2-.Ltmp2, $4  }
0x19: {  	[tilespmem:s24+$0x2830] =	vst v0  }
0x1a: {  	[tilespmem:s24+$0x2840] =	vst v0  }
0x1b: {  	[tilespmem:s24+$0x2850] =	vst v0  }
0x1c: {  	[tilespmem:s24+$0x2860] =	vst v0;
	s24 =	sshra.s32 s25, $0x2;
	s25 =	sadd.s32 $0x200, s25  }
0x1d: {  	[tilespmem:s24+$0x2870] =	vst v0  }
0x1e: {  	[tilespmem:s24+$0x2800] =	vst v0  }
0x1f: {  	[tilespmem:s24+$0x2810] =	vst v0  }
0x20: {  	[tilespmem:s24+$0x2820] =	vst v0  }
0x21: {  	[tilespmem:s24+$0x2830] =	vst v0  }
0x22: {  	[tilespmem:s24+$0x2840] =	vst v0  }
0x23: {  	[tilespmem:s24+$0x2850] =	vst v0  }
0x24: {  	[tilespmem:s24+$0x2860] =	vst v0  }
0x25: {  	[spmem:s7] =	stream.linear.scatter [tilespmem:s15], [sflag:$0x3], $0x4000, $0x38;
	[tilespmem:$0x1E800] =	vst v63  }
0x26: {  	_ =	swait.ge [sflag:s16], $0x4000  }
0x27: {  	[sflag:s16] =	ssyncset.done $0x0  }
0x28: {  	[sflag:s16] =	ssyncadd.s32 $0xFFFFC000  }
0x29: {  	[spmem:s8] =	stream.linear.scatter [tilespmem:s15], [sflag:$0x3], $0x4000, $0x38;
	[tilespmem:$0x1E800] =	vst v63  }
0x2a: {  	_ =	swait.ge [sflag:s16], $0x4000  }
0x2b: {  	[sflag:s16] =	ssyncset.done $0x0  }
0x2c: {  	[sflag:s16] =	ssyncadd.s32 $0xFFFFC000  }
0x2d: {  	[spmem:s9] =	stream.linear.scatter [tilespmem:s15], [sflag:$0x3], $0x4000, $0x38;
	[tilespmem:$0x1E800] =	vst v63  }
0x2e: {  	_ =	swait.ge [sflag:s16], $0x4000  }
0x2f: {  	[sflag:s16] =	ssyncset.done $0x0  }
0x30: {  	[sflag:s16] =	ssyncadd.s32 $0xFFFFC000  }
0x31: {  	[spmem:s10] =	stream.linear.scatter [tilespmem:s15], [sflag:$0x3], $0x4000, $0x38;
	[tilespmem:$0x1E800] =	vst v63  }
0x32: {  	_ =	swait.ge [sflag:s16], $0x4000  }
0x33: {  	[sflag:s16] =	ssyncset.done $0x0  }
0x34: {  	[sflag:s16] =	ssyncadd.s32 $0xFFFFC000  }
0x35: {  	[spmem:s11] =	stream.linear.scatter [tilespmem:s15], [sflag:$0x3], $0x4000, $0x38;
	[tilespmem:$0x1E800] =	vst v63  }
.Ltmp3:
0x36: {  	_ =	swait.ge [sflag:s16], $0x4000;
	(pc) =	sbr.rel @p0 .LBB2_8-.Ltmp3, $4  }
0x37: {  	[sflag:s16] =	ssyncset.done $0x0  }
0x38: {  	[sflag:s16] =	ssyncadd.s32 $0xFFFFC000  }
0x39: {  	[bflag:$0x0] =	sbarrier.arrive $0xFFFF  }
0x3a: {  	s24 =	simm.s32 $0x0;
	s25 =	simm.s32 $0x0  }
.LBB2_4:
0x3b: {  	s26 =	sadd.s32 s12, s25  }
0x3c: {  	s26 =	smul.u32 $0x280, s26;
	_ =	sdelay $0x1  }
0x3d: {  	s28 =	sadd.s32 s5, s26  }
0x3e: {  	[tilespmem:s24], [sflag:$0x3] =	stream.linear.gather [hbm4b:s28+s24], $0x1400, $0x38;
	[tilespmem:$0x1E800] =	vst v63  }
0x3f: {  	_ =	swait.ge [sflag:s16], $0x1400  }
0x40: {  	[sflag:s16] =	ssyncset.done $0x0  }
0x41: {  	s26 =	sadd.s32 s6, s26;
	[sflag:s16] =	ssyncadd.s32 $0xFFFFEC00  }
0x42: {  	[tilespmem:s17], [sflag:$0x3] =	stream.linear.gather [hbm4b:s26+s24], $0x1400, $0x38;
	[tilespmem:$0x1E800] =	vst v63  }
0x43: {  	_ =	swait.ge [sflag:s16], $0x1400  }
0x44: {  	[sflag:s16] =	ssyncset.done $0x0  }
0x45: {  	[sflag:s16] =	ssyncadd.s32 $0xFFFFEC00  }
0x46: {  	[tilespmem:s15], [sflag:$0x1] =	stream.indirect.gather [hbm4b:s4+s18], $0x80, s24, s18, $0xb8;
	[tilespmem:$0x1E800] =	vst v63  }
0x47: {  	_ = 	snop  }
0x48: {  	[tilespmem:s19], [sflag:$0x2] =	stream.indirect.gather [hbm4b:s4+s18], $0x80, s18, s18, $0xb8;
	[tilespmem:$0x1E800] =	vst v63  }
0x49: {  	_ =	swait.ge [sflag:s20], $0x4000  }
0x4a: {  	[sflag:s20] =	ssyncset.done $0x0  }
0x4b: {  	s29 =	simm.s32 $0x1400;
	[sflag:s20] =	ssyncadd.s32 $0xFFFFC000  }
0x4c: {  	[spmem:s1] =	stream.indirect.scatter.add.f32 [tilespmem:s15], [sflag:$0x3], $0x80, s29, s18, $0xb8;
	[tilespmem:$0x1E800] =	vst v63  }
0x4d: {  	_ =	swait.ge [sflag:s16], $0x4000  }
0x4e: {  	[sflag:s16] =	ssyncset.done $0x0  }
0x4f: {  	s30 =	simm.s32 $0x100;
	[sflag:s16] =	ssyncadd.s32 $0xFFFFC000  }
0x50: {  	[tilespmem:s15], [sflag:$0x1] =	stream.indirect.gather [hbm4b:s4+s18], $0x80, s30, s18, $0xb8;
	[tilespmem:$0x1E800] =	vst v63  }
0x51: {  	_ =	swait.ge [sflag:s21], $0x4000  }
0x52: {  	[sflag:s21] =	ssyncset.done $0x0  }
0x53: {  	s31 =	simm.s32 $0x1480;
	[sflag:s21] =	ssyncadd.s32 $0xFFFFC000  }
0x54: {  	[spmem:s1] =	stream.indirect.scatter.add.f32 [tilespmem:s19], [sflag:$0x3], $0x80, s31, s18, $0xb8;
	[tilespmem:$0x1E800] =	vst v63  }
0x55: {  	_ =	swait.ge [sflag:s16], $0x4000  }
0x56: {  	[sflag:s16] =	ssyncset.done $0x0  }
0x57: {  	s28 =	simm.s32 $0x180;
	s26 =	simm.s32 $0x400;
	[sflag:s16] =	ssyncadd.s32 $0xFFFFC000  }
.LBB2_5:
0x58: {  	[tilespmem:s19], [sflag:$0x2] =	stream.indirect.gather [hbm4b:s4+s18], $0x80, s28, s18, $0xb8;
	[tilespmem:$0x1E800] =	vst v63  }
0x59: {  	s28 =	smov.u32 s26  }
0x5a: {  	p1 =	sne.s32 s26, $0x4800;
	s26 =	sadd.s32 $0x400, s26;
	_ =	swait.ge [sflag:s20], $0x4000  }
0x5b: {  	s28 =	sshra.s32 s28, $0x2;
	[sflag:s20] =	ssyncset.done $0x0  }
0x5c: {  	s29 =	sadd.s32 $0x1400, s28;
	[sflag:s20] =	ssyncadd.s32 $0xFFFFC000  }
0x5d: {  	[spmem:s1] =	stream.indirect.scatter.add.f32 [tilespmem:s15], [sflag:$0x3], $0x80, s29, s18, $0xb8;
	[tilespmem:$0x1E800] =	vst v63  }
0x5e: {  	_ =	swait.ge [sflag:s16], $0x4000  }
0x5f: {  	[sflag:s16] =	ssyncset.done $0x0  }
0x60: {  	s29 =	sadd.s32 $0x100, s28;
	[sflag:s16] =	ssyncadd.s32 $0xFFFFC000  }
0x61: {  	[tilespmem:s15], [sflag:$0x1] =	stream.indirect.gather [hbm4b:s4+s18], $0x80, s29, s18, $0xb8;
	[tilespmem:$0x1E800] =	vst v63  }
0x62: {  	_ =	swait.ge [sflag:s21], $0x4000  }
0x63: {  	[sflag:s21] =	ssyncset.done $0x0  }
.Ltmp4:
0x64: {  	s29 =	sadd.s32 $0x1480, s28;
	[sflag:s21] =	ssyncadd.s32 $0xFFFFC000;
	(pc) =	sbr.rel @p1 .LBB2_5-.Ltmp4, $4  }
0x65: {  	[spmem:s1] =	stream.indirect.scatter.add.f32 [tilespmem:s19], [sflag:$0x3], $0x80, s29, s18, $0xb8;
	[tilespmem:$0x1E800] =	vst v63  }
0x66: {  	_ =	swait.ge [sflag:s16], $0x4000  }
0x67: {  	[sflag:s16] =	ssyncset.done $0x0  }
0x68: {  	s28 =	sadd.s32 $0x180, s28;
	[sflag:s16] =	ssyncadd.s32 $0xFFFFC000  }
0x69: {  	[tilespmem:s19], [sflag:$0x2] =	stream.indirect.gather [hbm4b:s4+s18], $0x80, s28, s18, $0xb8;
	[tilespmem:$0x1E800] =	vst v63  }
0x6a: {  	_ =	swait.ge [sflag:s20], $0x4000  }
0x6b: {  	[sflag:s20] =	ssyncset.done $0x0  }
0x6c: {  	[sflag:s20] =	ssyncadd.s32 $0xFFFFC000  }
0x6d: {  	[spmem:s1] =	stream.indirect.scatter.add.f32 [tilespmem:s15], [sflag:$0x3], $0x80, s22, s18, $0xb8;
	[tilespmem:$0x1E800] =	vst v63  }
0x6e: {  	_ =	swait.ge [sflag:s16], $0x4000  }
0x6f: {  	[sflag:s16] =	ssyncset.done $0x0  }
0x70: {  	[sflag:s16] =	ssyncadd.s32 $0xFFFFC000  }
0x71: {  	s25 =	sadd.s32 $0x1, s25;
	_ =	swait.ge [sflag:s21], $0x4000  }
0x72: {  	p1 =	sne.s32 s25, $0x4;
	[sflag:s21] =	ssyncset.done $0x0  }
.Ltmp5:
0x73: {  	[sflag:s21] =	ssyncadd.s32 $0xFFFFC000;
	(pc) =	sbr.rel @p1 .LBB2_4-.Ltmp5, $4  }
0x74: {  	[spmem:s1] =	stream.indirect.scatter.add.f32 [tilespmem:s19], [sflag:$0x3], $0x80, s23, s18, $0xb8;
	[tilespmem:$0x1E800] =	vst v63  }
0x75: {  	_ =	swait.ge [sflag:s16], $0x4000  }
0x76: {  	[sflag:s16] =	ssyncset.done $0x0  }
0x77: {  	[sflag:s16] =	ssyncadd.s32 $0xFFFFC000  }
0x78: {  	s24 =	sshll.u32 s2, $0x6;
	[bflag:$0x0] =	sbarrier.arrive $0xFFFF  }
.Ltmp6:
0x79: {  	s25 =	sshrl.u32 s7, $0x3;
	s24 =	sor.u32 $0x1C03, s24;
	(pc) =	sbr.rel .LBB2_9-.Ltmp6, $4  }
0x7a: {  	[hbm:s13], [sflag:s24] =	dma.local [spmem:s25], $0x2800  }
0x7b: {  	_ =	swait.ge [sflag:s16], $0x2800  }
0x7c: {  	[sflag:s16] =	ssyncset.done $0x0  }
0x7d: {  	[sflag:s16] =	ssyncadd.s32 $0xFFFFD800  }
.LBB2_10:
0x7e: {  	_ =	sfence.sel $0x180000  }
0x7f: {  	[bflag:$0x0] =	sbarrier.arrive $0xFFFF  }
0x80: {  	p0 =	sne.s32 s2, $0x0;
	_ =	strace $0x9000004A  }
0x81: {  	s0 =	sadd.s32 @!p0 $0x100000, s0;
	[bflag:$0x2] =	sbarrier.arrive $0xFFFF  }
0x82: {  	[sflag:s0] =	ssyncadd.tile.s32 @!p0 $0x1;
	_ =	shalt  }
.Lfunc_end2:
_tile_overlayer_lowered:
.L_overlay_start_2:
0x83: {  	(tag) =	ssettag $0x2  }
0x84: {  	s0 =	rddreg [dreg:$0x0];
	s2 =	stileid.u32  }
0x85: {  	s1 =	rddreg [dreg:$0x1];
	p0 =	sne.s32 s2, $0x0  }
0x86: {  	s3 =	rddreg [dreg:$0x2];
	[bflag:$0x3] =	sbarrier.arrive $0xFFFF;
	s2 =	simm.s32 @!p0 $0x1C03  }
0x87: {  	[timem:s3], [sflag:s2] =	dma.local @!p0 [hbm:s0], s1  }
0x88: {  	s0 =	simm.s32 @!p0 $0x3  }
0x89: {  	_ =	swait.ge @!p0 [sflag:s0], s1  }
0x8a: {  	s1 =	ssub.s32 @!p0 $0x0, s1;
	[sflag:s0] =	ssyncset.done @!p0 $0x0  }
0x8b: {  	[sflag:s0] =	ssyncadd.s32 @!p0 s1  }
0x8c: {  	[bflag:$0x3] =	sbarrier.arrive $0xFFFF  }
0x8d: {  	_ =	shalt  }

// kernel: kernel.14.cloned.1.call-start
scs
__scs_entry_jumppad:
0x0: {  	(pc) =	sbr.rel $0x88, $3  }
0x1: {  	(tag) =	ssettag $0x0;
	lr =	simm.s32 $0x1  }
0x2: {  	[smem:$0x3F98] =	sst lr;
	_ =	strace $0xD0000000  }
0x3: {  	_ = 	snop  }
0x4: {  	_ = 	snop  }
0x5: {  	_ = 	snop  }
0x6: {  	_ = 	snop  }
0x7: {  	_ = 	snop  }
__scs_overlays_trampoline_lowered:
0x8: {  	[smem:$0x3FA7] =	sst s0  }
0x9: {  	[smem:$0x3FA8] =	sst s1  }
0xa: {  	[smem:$0x3FA9] =	sst s2  }
0xb: {  	[smem:$0x3FAA] =	sst s3  }
0xc: {  	[smem:$0x3FAB] =	sst s4  }
0xd: {  	[smem:$0x3FAC] =	sst s5  }
0xe: {  	[smem:$0x3FAD] =	sst s6  }
0xf: {  	[smem:$0x3FAE] =	sst s7  }
0x10: {  	[smem:$0x3FAF] =	sst s8  }
0x11: {  	[smem:$0x3FB0] =	sst s9;
	s0 =	simm.s32 @!p0 $0x0  }
0x12: {  	s1 =	sld [smem:$0x3F96];
	s0 =	simm.s32 @p0 $0x1  }
0x13: {  	[smem:$0x3FB1] =	sst s0;
	s0 =	simm.s32 @!p1 $0x0  }
0x14: {  	s2 =	sld [smem:$0x3F95];
	s0 =	simm.s32 @p1 $0x1  }
0x15: {  	[smem:$0x3FB2] =	sst s0;
	s0 =	simm.s32 @!p2 $0x0  }
0x16: {  	s3 =	sld [smem:$0x3FDB];
	s0 =	simm.s32 @p2 $0x1  }
0x17: {  	s4 =	simm.s32 $0x1BF5;
	[smem:$0x3FB4] =	sst s0  }
0x18: {  	s0 =	sld [smem:$0x3F97];
	_ =	swait.ge [sflag:s4], $0x0  }
0x19: {  	s7 =	sld [smem:$0x3F98]  }
0x1a: {  	s8 =	sadd.s32 $0xFFFFE003, lr  }
0x1b: {  	s9 =	sadd.s32 $0xFFFFFEF7, lr;
	s5 =	simm.s32 $0xFFFFFFFF;
	p2 =	slt.u32 s8, $0xFFFFF086  }
0x1c: {  	p1 =	slt.u32 s9, $0xF7A;
	s5 =	simm.s32 @!p2 $0x0  }
0x1d: {  	s5 =	simm.s32 @p1 $0x1;
	p0 =	seq.s32 s7, s2  }
0x1e: {  	s7 =	smul.u32 @!p0 $0xF7A, s2;
	p2 =	seq.s32 @!p0 s5, $0x0  }
0x1f: {  	s9 =	smul.u32 $0xF7A, s1;
	s8 =	simm.s32 @!p0 $0x1BF5;
	p2 =	por !p2, p0  }
0x20: {  	[sflag:s8] =	ssyncset.s32 @!p0 $0xFFFFF086;
	s6 =	sadd.s32 @!p0 s3, s7;
	s7 =	simm.s32 @!p0 $0x108  }
0x21: {  	s3 =	sadd.s32 s3, s9;
	s6 =	sadd.s32 @!p0 $0x88, s6;
	s7 =	simm.s32 @p2 $0x1082  }
0x22: {  	[simem:s7], [sflag:s8] =	dma.local @!p0 [hbm:s6], $0xF7A  }
0x23: {  	s9 =	sor.u32 $0xD0000000, s2;
	s6 =	simm.s32 $0x108;
	_ =	swait.ge @!p0 [sflag:s8], $0x0  }
0x24: {  	s3 =	sadd.s32 $0x88, s3;
	s6 =	simm.s32 @!p1 $0x1082;
	[sflag:s4] =	ssyncset.s32 $0xFFFFF086  }
0x25: {  	[simem:s6], [sflag:s4] =	dma.local [hbm:s3], $0xF7A  }
0x26: {  	[smem:$0x3F98] =	sst s1;
	(tag) =	ssettag s2;
	_ =	strace s9  }
0x27: {  	s1 =	sld [smem:$0x3FA8]  }
0x28: {  	s2 =	sld [smem:$0x3FA9]  }
0x29: {  	s4 =	sld [smem:$0x3FAB]  }
0x2a: {  	p0 =	seq.s32 s5, $0x0;
	s5 =	sld [smem:$0x3FAC]  }
0x2b: {  	s6 =	sld [smem:$0x3FAD]  }
0x2c: {  	s7 =	sld [smem:$0x3FAE]  }
0x2d: {  	s3 =	simm.s32 $0x108;
	s8 =	sld [smem:$0x3FAF]  }
0x2e: {  	s3 =	simm.s32 @!p0 $0x1082;
	s9 =	sld [smem:$0x3FB0]  }
0x2f: {  	lr =	sadd.s32 s0, s3;
	s0 =	sld [smem:$0x3FA7]  }
0x30: {  	s3 =	sld [smem:$0x3FAA]  }
0x31: {  	[smem:$0x3FB3] =	sst s10  }
0x32: {  	s10 =	sld [smem:$0x3FB1];
	_ =	sdelay $0x3  }
0x33: {  	p0 =	seq.s32 s10, $0x1;
	s10 =	sld [smem:$0x3FB3];
	_ =	sdelay $0x3  }
0x34: {  	[smem:$0x3FB3] =	sst s10  }
0x35: {  	s10 =	sld [smem:$0x3FB2];
	_ =	sdelay $0x3  }
0x36: {  	p1 =	seq.s32 s10, $0x1;
	s10 =	sld [smem:$0x3FB3];
	_ =	sdelay $0x3  }
0x37: {  	[smem:$0x3FB3] =	sst s10  }
0x38: {  	s10 =	sld [smem:$0x3FB4]  }
0x39: {  	_ = 	snop;
	(pc) =	sbr.ind lr, $3  }
0x3a: {  	_ = 	snop  }
0x3b: {  	_ = 	snop  }
0x3c: {  	p2 =	seq.s32 s10, $0x1;
	s10 =	sld [smem:$0x3FB3]  }
0x3d: {  	_ =	shalt  }
0x3e: {  	_ =	shalt  }
0x3f: {  	_ =	shalt  }
0x40: {  	_ =	shalt  }
0x41: {  	_ =	shalt  }
0x42: {  	_ =	shalt  }
0x43: {  	_ =	shalt  }
0x44: {  	_ =	shalt  }
0x45: {  	_ =	shalt  }
0x46: {  	_ =	shalt  }
0x47: {  	_ =	shalt  }
0x48: {  	_ =	shalt  }
0x49: {  	_ =	shalt  }
0x4a: {  	_ =	shalt  }
0x4b: {  	_ =	shalt  }
0x4c: {  	_ =	shalt  }
0x4d: {  	_ =	shalt  }
0x4e: {  	_ =	shalt  }
0x4f: {  	_ =	shalt  }
0x50: {  	_ =	shalt  }
0x51: {  	_ =	shalt  }
0x52: {  	_ =	shalt  }
0x53: {  	_ =	shalt  }
0x54: {  	_ =	shalt  }
0x55: {  	_ =	shalt  }
0x56: {  	_ =	shalt  }
0x57: {  	_ =	shalt  }
0x58: {  	_ =	shalt  }
0x59: {  	_ =	shalt  }
0x5a: {  	_ =	shalt  }
0x5b: {  	_ =	shalt  }
0x5c: {  	_ =	shalt  }
0x5d: {  	_ =	shalt  }
0x5e: {  	_ =	shalt  }
0x5f: {  	_ =	shalt  }
0x60: {  	_ =	shalt  }
0x61: {  	_ =	shalt  }
0x62: {  	_ =	shalt  }
0x63: {  	_ =	shalt  }
0x64: {  	_ =	shalt  }
0x65: {  	_ =	shalt  }
0x66: {  	_ =	shalt  }
0x67: {  	_ =	shalt  }
0x68: {  	_ =	shalt  }
0x69: {  	_ =	shalt  }
0x6a: {  	_ =	shalt  }
0x6b: {  	_ =	shalt  }
0x6c: {  	_ =	shalt  }
0x6d: {  	_ =	shalt  }
0x6e: {  	_ =	shalt  }
0x6f: {  	_ =	shalt  }
0x70: {  	_ =	shalt  }
0x71: {  	_ =	shalt  }
0x72: {  	_ =	shalt  }
0x73: {  	_ =	shalt  }
0x74: {  	_ =	shalt  }
0x75: {  	_ =	shalt  }
0x76: {  	_ =	shalt  }
0x77: {  	_ =	shalt  }
0x78: {  	_ =	shalt  }
0x79: {  	_ =	shalt  }
0x7a: {  	_ =	shalt  }
0x7b: {  	_ =	shalt  }
0x7c: {  	_ =	shalt  }
0x7d: {  	_ =	shalt  }
0x7e: {  	_ =	shalt  }
0x7f: {  	_ =	shalt  }
0x80: {  	_ =	shalt  }
0x81: {  	_ =	shalt  }
0x82: {  	_ =	shalt  }
0x83: {  	_ =	shalt  }
0x84: {  	_ =	shalt  }
0x85: {  	_ =	shalt  }
0x86: {  	_ =	shalt  }
0x87: {  	_ =	shalt  }
.Lfunc_end0:
.L_simem_size_0:
called_computation.2_lowered:
.L_overlay_start_0:
0x88: {  	s2 =	sld [smem:$0x3FD9]  }
0x89: {  	s3 =	sld [smem:$0x3FFE];
	_ =	sdelay $0x1  }
0x8a: {  	s1 =	srdreg.scid  }
0x8b: {  	s0 =	sand.u32 $0x1, s1  }
0x8c: {  	s16 =	sshll.u32 s0, $0xA;
	s2 =	sadd.s32 s3, s2  }
0x8d: {  	s2 =	sadd.s32 s2, s16  }
0x8e: {  	[smem:$0x3FBF] =	sst s2  }
0x8f: {  	_ = 	snop  }
0x90: {  	(tm) =	ssettm $0x1  }
0x91: {  	s17 =	sld [smem:$0x3FFB];
	_ =	sdelay $0x3  }
0x92: {  	_ =	strace s17  }
0x93: {  	s2 =	sld [smem:$0x3FFC];
	_ =	sdelay $0x3  }
0x94: {  	_ =	strace s2  }
0x95: {  	s2 =	sld [smem:$0x3FFD];
	_ =	sdelay $0x3  }
0x96: {  	_ =	strace s2  }
0x97: {  	_ =	strace $0x8FFFFFFF  }
0x98: {  	s18 =	sld [smem:$0x3FDB];
	_ =	sdelay $0x1  }
0x99: {  	s19 =	simm.s32 $_scs_section_size  }
0x9a: {  	s4 =	simm.s32 $_size__tile_overlayer_lowered;
	s5 =	simm.s32 $_tile_overlayer_lowered  }
0x9b: {  	s22 =	simm.s32 $0x1BFF;
	s21 =	sshll.u32 s5, $0x1;
	s2 =	sadd.s32 s19, s18  }
0x9c: {  	s6 =	simm.s32 $0x0;
	s20 =	sshll.u32 s4, $0x1;
	s4 =	sadd.s32 s21, s2  }
0x9d: {  	[timem:s6], [sflag:s22] =	dma.local [hbm:s4], s20  }
0x9e: {  	_ =	swait.ge [sflag:s22], s20  }
0x9f: {  	s3 =	ssub.s32 $0x0, s20;
	[sflag:s22] =	ssyncset.done $0x0  }
0xa0: {  	[sflag:s22] =	ssyncadd.s32 s3;
	_ =	sdelay $0x1  }
0xa1: {  	s23 =	simm.s32 $0x1B8B  }
0xa2: {  	_ =	swait.ge [sflag:s23], $0x1  }
0xa3: {  	[sflag:s23] =	ssyncset.done $0x0  }
0xa4: {  	s25 =	simm.s32 $0x1B8E;
	s24 =	sld [smem:$0x3FFE];
	[sflag:s23] =	ssyncadd.s32 $0xFFFFFFFF  }
0xa5: {  	s26 =	simm.s32 $execute0_lowered;
	[smem:$0x3FD2] =	sst s25  }
0xa6: {  	s4 =	sshll.u32 s26, $0x1;
	_ =	strace $0x8000004C;
	[dreg:$0x1] =	wrdreg $0xFFFFFFFF  }
0xa7: {  	s28 =	simm.s32 $_size_execute0_lowered;
	s2 =	sadd.s32 s2, s4;
	[dreg:$0x0] =	wrdreg $0x0  }
0xa8: {  	s4 =	sshll.u32 s28, $0x1;
	[dreg:$0x2] =	wrdreg s2  }
0xa9: {  	[dreg:$0x3] =	wrdreg s4  }
0xaa: {  	[dreg:$0x4] =	wrdreg $0xC0  }
0xab: {  	_ =	task [dreg:s6], $0x5FFFF  }
0xac: {  	[dreg:$0x1] =	wrdreg $0xFFFFFFFF  }
0xad: {  	[dreg:$0x0] =	wrdreg $0x60  }
0xae: {  	[dreg:$0x2] =	wrdreg s24  }
0xaf: {  	[dreg:$0x3] =	wrdreg $0xA8000  }
0xb0: {  	[dreg:$0x4] =	wrdreg $0x9  }
0xb1: {  	_ =	task.clear_ibuf [dreg:s6], $0x5FFFF;
	_ =	strace $0x9000004C  }
0xb2: {  	s29 =	simm.s32 $0x9;
	_ =	strace $0x8000004E  }
0xb3: {  	_ =	swait.ge [sflag:s29], $0x1  }
0xb4: {  	[sflag:s29] =	ssyncadd.s32 $0xFFFFFFFF  }
0xb5: {  	_ =	strace $0x9000004E  }
0xb6: {  	_ =	sfence  }
0xb7: {  	s30 =	sld [smem:$0x0];
	_ =	sdelay $0x2  }
0xb8: {  	s31 =	sshll.u32 s1, $0xD;
	s1 =	sshrl.u32 s1, $0x2  }
0xb9: {  	s3 =	sand.u32 $0x4000, s31;
	s1 =	sadd.s32 s1, s30  }
0xba: {  	s0 =	sor.u32 s3, s0;
	s1 =	sshll.u32 s1, $0x11  }
0xbb: {  	s0 =	sor.u32 s1, s0  }
0xbc: {  	s0 =	sadd.s32 $0x8F2B, s0  }
0xbd: {  	[sflag:s0] =	ssyncadd.remote.s32 $0x1  }
0xbe: {  	_ =	sfence.sel $0xFFFF  }
0xbf: {  	[dreg:$0x0] =	wrdreg $0xFFFFFFFF;
	(pc) =	sbr.abs _section_cstart, $3  }
0xc0: {  	[dreg:$0x1] =	wrdreg $0xFFFFFFFF  }
0xc1: {  	_ =	task.clear_ibuf [dreg:s6], $0x2FFFF;
	_ =	strace $0x9FFFFFFF  }
0xc2: {  	(tm) =	ssettm $0x7FFFFFFF  }
0xc3: {  	_ =	shalt  }
tec
execute0_lowered:
.L_overlay_start_1:
0x0: {  	(tag) =	ssettag $0x1  }
0x1: {  	s7 =	rddreg [dreg:$0x0]  }
0x2: {  	s1 =	rddreg [dreg:$0x1]  }
0x3: {  	s0 =	rddreg [dreg:$0x2];
	s3 =	simm.s32 $0x0;
	s2 =	stileid.u32  }
0x4: {  	s6 =	srdreg.scid;
	s16 =	simm.s32 $0x3;
	s17 =	simm.s32 $0x1400  }
0x5: {  	s18 =	simm.s32 $0x80;
	s19 =	simm.s32 $0x6800;
	s20 =	simm.s32 $0x1  }
0x6: {  	s21 =	simm.s32 $0x2;
	s22 =	simm.s32 $0x2700;
	s23 =	simm.s32 $0x2780  }
0x7: {  	[smem:$0x7FF] =	sst s3;
	s4 =	sadd.s32 $0xD600, s7;
	s8 =	smul.u32 $0x50000, s2  }
0x8: {  	s5 =	sadd.s32 $0x5D600, s7;
	s9 =	smul.u32 $0x2800, s2;
	s15 =	sand.u32 $0x1, s6  }
0x9: {  	s6 =	sadd.s32 $0x3600, s7;
	s12 =	sshll.u32 s2, $0x2;
	_ =	strace $0x8000004D  }
.Ltmp0:
0xa: {  	s10 =	ssub.s32 $0x2, s15;
	p0 =	sne.s32 s15, $0x0;
	(pc) =	sbr.rel .LBB2_1-.Ltmp0, $4  }
0xb: {  	s15 =	simm.s32 $0x2800;
	s8 =	sshrl.u32 s8, $0x2;
	s31 =	sshrl.u32 s10, $0x1  }
0xc: {  	s13 =	sadd.s32 s9, s7;
	s7 =	sadd.s32 s8, s1;
	s14 =	ssub.s32 s10, s31  }
0xd: {  	s13 =	sadd.s32 $0x8E800, s13;
	s8 =	sadd.s32 $0x4000, s7;
	s9 =	sadd.s32 $0x8000, s7  }
0xe: {  	v0 =	vimm.f32 $0.0e+00;
	s10 =	sadd.s32 $0xC000, s7;
	s11 =	sadd.s32 $0x10000, s7;
	s14 =	smax.u32 s14, $0x1  }
.LBB2_8:
0xf: {  	[bflag:$0x0] =	sbarrier.arrive $0xFFFF  }
.LBB2_9:
0x10: {  	s3 =	sadd.s32 $0x1, s3  }
0x11: {  	p1 =	sne.s32 s3, s14  }
.Ltmp1:
0x12: {  	_ = 	snop;
	(pc) =	sbr.rel @!p1 .LBB2_10-.Ltmp1, $1  }
0x13: {  	_ =	sdelay $0x3  }
.LBB2_1:
0x14: {  	s24 =	simm.s32 $0x0;
	s25 =	simm.s32 $0x200  }
.LBB2_2:
0x15: {  	p1 =	sne.s32 s25, $0xFE00;
	[tilespmem:s24+$0x2870] =	vst v0  }
0x16: {  	[tilespmem:s24+$0x2800] =	vst v0  }
0x17: {  	[tilespmem:s24+$0x2810] =	vst v0  }
.Ltmp2:
0x18: {  	[tilespmem:s24+$0x2820] =	vst v0;
	(pc) =	sbr.rel @p1 .LBB2_2-.Ltmp2, $4  }
0x19: {  	[tilespmem:s24+$0x2830] =	vst v0  }
0x1a: {  	[tilespmem:s24+$0x2840] =	vst v0  }
0x1b: {  	[tilespmem:s24+$0x2850] =	vst v0  }
0x1c: {  	[tilespmem:s24+$0x2860] =	vst v0;
	s24 =	sshra.s32 s25, $0x2;
	s25 =	sadd.s32 $0x200, s25  }
0x1d: {  	[tilespmem:s24+$0x2870] =	vst v0  }
0x1e: {  	[tilespmem:s24+$0x2800] =	vst v0  }
0x1f: {  	[tilespmem:s24+$0x2810] =	vst v0  }
0x20: {  	[tilespmem:s24+$0x2820] =	vst v0  }
0x21: {  	[tilespmem:s24+$0x2830] =	vst v0  }
0x22: {  	[tilespmem:s24+$0x2840] =	vst v0  }
0x23: {  	[tilespmem:s24+$0x2850] =	vst v0  }
0x24: {  	[tilespmem:s24+$0x2860] =	vst v0  }
0x25: {  	[spmem:s7] =	stream.linear.scatter [tilespmem:s15], [sflag:$0x3], $0x4000, $0x38;
	[tilespmem:$0x1E800] =	vst v63  }
0x26: {  	_ =	swait.ge [sflag:s16], $0x4000  }
0x27: {  	[sflag:s16] =	ssyncset.done $0x0  }
0x28: {  	[sflag:s16] =	ssyncadd.s32 $0xFFFFC000  }
0x29: {  	[spmem:s8] =	stream.linear.scatter [tilespmem:s15], [sflag:$0x3], $0x4000, $0x38;
	[tilespmem:$0x1E800] =	vst v63  }
0x2a: {  	_ =	swait.ge [sflag:s16], $0x4000  }
0x2b: {  	[sflag:s16] =	ssyncset.done $0x0  }
0x2c: {  	[sflag:s16] =	ssyncadd.s32 $0xFFFFC000  }
0x2d: {  	[spmem:s9] =	stream.linear.scatter [tilespmem:s15], [sflag:$0x3], $0x4000, $0x38;
	[tilespmem:$0x1E800] =	vst v63  }
0x2e: {  	_ =	swait.ge [sflag:s16], $0x4000  }
0x2f: {  	[sflag:s16] =	ssyncset.done $0x0  }
0x30: {  	[sflag:s16] =	ssyncadd.s32 $0xFFFFC000  }
0x31: {  	[spmem:s10] =	stream.linear.scatter [tilespmem:s15], [sflag:$0x3], $0x4000, $0x38;
	[tilespmem:$0x1E800] =	vst v63  }
0x32: {  	_ =	swait.ge [sflag:s16], $0x4000  }
0x33: {  	[sflag:s16] =	ssyncset.done $0x0  }
0x34: {  	[sflag:s16] =	ssyncadd.s32 $0xFFFFC000  }
0x35: {  	[spmem:s11] =	stream.linear.scatter [tilespmem:s15], [sflag:$0x3], $0x4000, $0x38;
	[tilespmem:$0x1E800] =	vst v63  }
.Ltmp3:
0x36: {  	_ =	swait.ge [sflag:s16], $0x4000;
	(pc) =	sbr.rel @p0 .LBB2_8-.Ltmp3, $4  }
0x37: {  	[sflag:s16] =	ssyncset.done $0x0  }
0x38: {  	[sflag:s16] =	ssyncadd.s32 $0xFFFFC000  }
0x39: {  	[bflag:$0x0] =	sbarrier.arrive $0xFFFF  }
0x3a: {  	s24 =	simm.s32 $0x0;
	s25 =	simm.s32 $0x0  }
.LBB2_4:
0x3b: {  	s26 =	sadd.s32 s12, s25  }
0x3c: {  	s26 =	smul.u32 $0x280, s26;
	_ =	sdelay $0x1  }
0x3d: {  	s28 =	sadd.s32 s5, s26  }
0x3e: {  	[tilespmem:s24], [sflag:$0x3] =	stream.linear.gather [hbm4b:s28+s24], $0x1400, $0x38;
	[tilespmem:$0x1E800] =	vst v63  }
0x3f: {  	_ =	swait.ge [sflag:s16], $0x1400  }
0x40: {  	[sflag:s16] =	ssyncset.done $0x0  }
0x41: {  	s26 =	sadd.s32 s6, s26;
	[sflag:s16] =	ssyncadd.s32 $0xFFFFEC00  }
0x42: {  	[tilespmem:s17], [sflag:$0x3] =	stream.linear.gather [hbm4b:s26+s24], $0x1400, $0x38;
	[tilespmem:$0x1E800] =	vst v63  }
0x43: {  	_ =	swait.ge [sflag:s16], $0x1400  }
0x44: {  	[sflag:s16] =	ssyncset.done $0x0  }
0x45: {  	[sflag:s16] =	ssyncadd.s32 $0xFFFFEC00  }
0x46: {  	[tilespmem:s15], [sflag:$0x1] =	stream.indirect.gather [hbm4b:s4+s18], $0x80, s24, s18, $0xb8;
	[tilespmem:$0x1E800] =	vst v63  }
0x47: {  	_ = 	snop  }
0x48: {  	[tilespmem:s19], [sflag:$0x2] =	stream.indirect.gather [hbm4b:s4+s18], $0x80, s18, s18, $0xb8;
	[tilespmem:$0x1E800] =	vst v63  }
0x49: {  	_ =	swait.ge [sflag:s20], $0x4000  }
0x4a: {  	[sflag:s20] =	ssyncset.done $0x0  }
0x4b: {  	s29 =	simm.s32 $0x1400;
	[sflag:s20] =	ssyncadd.s32 $0xFFFFC000  }
0x4c: {  	[spmem:s1] =	stream.indirect.scatter.add.f32 [tilespmem:s15], [sflag:$0x3], $0x80, s29, s18, $0xb8;
	[tilespmem:$0x1E800] =	vst v63  }
0x4d: {  	_ =	swait.ge [sflag:s16], $0x4000  }
0x4e: {  	[sflag:s16] =	ssyncset.done $0x0  }
0x4f: {  	s30 =	simm.s32 $0x100;
	[sflag:s16] =	ssyncadd.s32 $0xFFFFC000  }
0x50: {  	[tilespmem:s15], [sflag:$0x1] =	stream.indirect.gather [hbm4b:s4+s18], $0x80, s30, s18, $0xb8;
	[tilespmem:$0x1E800] =	vst v63  }
0x51: {  	_ =	swait.ge [sflag:s21], $0x4000  }
0x52: {  	[sflag:s21] =	ssyncset.done $0x0  }
0x53: {  	s31 =	simm.s32 $0x1480;
	[sflag:s21] =	ssyncadd.s32 $0xFFFFC000  }
0x54: {  	[spmem:s1] =	stream.indirect.scatter.add.f32 [tilespmem:s19], [sflag:$0x3], $0x80, s31, s18, $0xb8;
	[tilespmem:$0x1E800] =	vst v63  }
0x55: {  	_ =	swait.ge [sflag:s16], $0x4000  }
0x56: {  	[sflag:s16] =	ssyncset.done $0x0  }
0x57: {  	s28 =	simm.s32 $0x180;
	s26 =	simm.s32 $0x400;
	[sflag:s16] =	ssyncadd.s32 $0xFFFFC000  }
.LBB2_5:
0x58: {  	[tilespmem:s19], [sflag:$0x2] =	stream.indirect.gather [hbm4b:s4+s18], $0x80, s28, s18, $0xb8;
	[tilespmem:$0x1E800] =	vst v63  }
0x59: {  	s28 =	smov.u32 s26  }
0x5a: {  	p1 =	sne.s32 s26, $0x4800;
	s26 =	sadd.s32 $0x400, s26;
	_ =	swait.ge [sflag:s20], $0x4000  }
0x5b: {  	s28 =	sshra.s32 s28, $0x2;
	[sflag:s20] =	ssyncset.done $0x0  }
0x5c: {  	s29 =	sadd.s32 $0x1400, s28;
	[sflag:s20] =	ssyncadd.s32 $0xFFFFC000  }
0x5d: {  	[spmem:s1] =	stream.indirect.scatter.add.f32 [tilespmem:s15], [sflag:$0x3], $0x80, s29, s18, $0xb8;
	[tilespmem:$0x1E800] =	vst v63  }
0x5e: {  	_ =	swait.ge [sflag:s16], $0x4000  }
0x5f: {  	[sflag:s16] =	ssyncset.done $0x0  }
0x60: {  	s29 =	sadd.s32 $0x100, s28;
	[sflag:s16] =	ssyncadd.s32 $0xFFFFC000  }
0x61: {  	[tilespmem:s15], [sflag:$0x1] =	stream.indirect.gather [hbm4b:s4+s18], $0x80, s29, s18, $0xb8;
	[tilespmem:$0x1E800] =	vst v63  }
0x62: {  	_ =	swait.ge [sflag:s21], $0x4000  }
0x63: {  	[sflag:s21] =	ssyncset.done $0x0  }
.Ltmp4:
0x64: {  	s29 =	sadd.s32 $0x1480, s28;
	[sflag:s21] =	ssyncadd.s32 $0xFFFFC000;
	(pc) =	sbr.rel @p1 .LBB2_5-.Ltmp4, $4  }
0x65: {  	[spmem:s1] =	stream.indirect.scatter.add.f32 [tilespmem:s19], [sflag:$0x3], $0x80, s29, s18, $0xb8;
	[tilespmem:$0x1E800] =	vst v63  }
0x66: {  	_ =	swait.ge [sflag:s16], $0x4000  }
0x67: {  	[sflag:s16] =	ssyncset.done $0x0  }
0x68: {  	s28 =	sadd.s32 $0x180, s28;
	[sflag:s16] =	ssyncadd.s32 $0xFFFFC000  }
0x69: {  	[tilespmem:s19], [sflag:$0x2] =	stream.indirect.gather [hbm4b:s4+s18], $0x80, s28, s18, $0xb8;
	[tilespmem:$0x1E800] =	vst v63  }
0x6a: {  	_ =	swait.ge [sflag:s20], $0x4000  }
0x6b: {  	[sflag:s20] =	ssyncset.done $0x0  }
0x6c: {  	[sflag:s20] =	ssyncadd.s32 $0xFFFFC000  }
0x6d: {  	[spmem:s1] =	stream.indirect.scatter.add.f32 [tilespmem:s15], [sflag:$0x3], $0x80, s22, s18, $0xb8;
	[tilespmem:$0x1E800] =	vst v63  }
0x6e: {  	_ =	swait.ge [sflag:s16], $0x4000  }
0x6f: {  	[sflag:s16] =	ssyncset.done $0x0  }
0x70: {  	[sflag:s16] =	ssyncadd.s32 $0xFFFFC000  }
0x71: {  	s25 =	sadd.s32 $0x1, s25;
	_ =	swait.ge [sflag:s21], $0x4000  }
0x72: {  	p1 =	sne.s32 s25, $0x4;
	[sflag:s21] =	ssyncset.done $0x0  }
.Ltmp5:
0x73: {  	[sflag:s21] =	ssyncadd.s32 $0xFFFFC000;
	(pc) =	sbr.rel @p1 .LBB2_4-.Ltmp5, $4  }
0x74: {  	[spmem:s1] =	stream.indirect.scatter.add.f32 [tilespmem:s19], [sflag:$0x3], $0x80, s23, s18, $0xb8;
	[tilespmem:$0x1E800] =	vst v63  }
0x75: {  	_ =	swait.ge [sflag:s16], $0x4000  }
0x76: {  	[sflag:s16] =	ssyncset.done $0x0  }
0x77: {  	[sflag:s16] =	ssyncadd.s32 $0xFFFFC000  }
0x78: {  	s24 =	sshll.u32 s2, $0x6;
	[bflag:$0x0] =	sbarrier.arrive $0xFFFF  }
.Ltmp6:
0x79: {  	s25 =	sshrl.u32 s7, $0x3;
	s24 =	sor.u32 $0x1C03, s24;
	(pc) =	sbr.rel .LBB2_9-.Ltmp6, $4  }
0x7a: {  	[hbm:s13], [sflag:s24] =	dma.local [spmem:s25], $0x2800  }
0x7b: {  	_ =	swait.ge [sflag:s16], $0x2800  }
0x7c: {  	[sflag:s16] =	ssyncset.done $0x0  }
0x7d: {  	[sflag:s16] =	ssyncadd.s32 $0xFFFFD800  }
.LBB2_10:
0x7e: {  	_ =	sfence.sel $0x180000  }
0x7f: {  	[bflag:$0x0] =	sbarrier.arrive $0xFFFF  }
0x80: {  	p0 =	sne.s32 s2, $0x0;
	_ =	strace $0x9000004D  }
0x81: {  	s0 =	sadd.s32 @!p0 $0x100000, s0;
	[bflag:$0x2] =	sbarrier.arrive $0xFFFF  }
0x82: {  	[sflag:s0] =	ssyncadd.tile.s32 @!p0 $0x1;
	_ =	shalt  }
.Lfunc_end2:
_tile_overlayer_lowered:
.L_overlay_start_2:
0x83: {  	(tag) =	ssettag $0x2  }
0x84: {  	s0 =	rddreg [dreg:$0x0];
	s2 =	stileid.u32  }
0x85: {  	s1 =	rddreg [dreg:$0x1];
	p0 =	sne.s32 s2, $0x0  }
0x86: {  	s3 =	rddreg [dreg:$0x2];
	[bflag:$0x3] =	sbarrier.arrive $0xFFFF;
	s2 =	simm.s32 @!p0 $0x1C03  }
0x87: {  	[timem:s3], [sflag:s2] =	dma.local @!p0 [hbm:s0], s1  }
0x88: {  	s0 =	simm.s32 @!p0 $0x3  }
0x89: {  	_ =	swait.ge @!p0 [sflag:s0], s1  }
0x8a: {  	s1 =	ssub.s32 @!p0 $0x0, s1;
	[sflag:s0] =	ssyncset.done @!p0 $0x0  }
0x8b: {  	[sflag:s0] =	ssyncadd.s32 @!p0 s1  }
0x8c: {  	[bflag:$0x3] =	sbarrier.arrive $0xFFFF  }
0x8d: {  	_ =	shalt  }

// kernel: kernel.8.cloned.1.call-start
scs
__scs_entry_jumppad:
0x0: {  	(pc) =	sbr.rel $0x88, $3  }
0x1: {  	(tag) =	ssettag $0x0;
	lr =	simm.s32 $0x1  }
0x2: {  	[smem:$0x3F98] =	sst lr;
	_ =	strace $0xD0000000  }
0x3: {  	_ = 	snop  }
0x4: {  	_ = 	snop  }
0x5: {  	_ = 	snop  }
0x6: {  	_ = 	snop  }
0x7: {  	_ = 	snop  }
__scs_overlays_trampoline_lowered:
0x8: {  	[smem:$0x3FA7] =	sst s0  }
0x9: {  	[smem:$0x3FA8] =	sst s1  }
0xa: {  	[smem:$0x3FA9] =	sst s2  }
0xb: {  	[smem:$0x3FAA] =	sst s3  }
0xc: {  	[smem:$0x3FAB] =	sst s4  }
0xd: {  	[smem:$0x3FAC] =	sst s5  }
0xe: {  	[smem:$0x3FAD] =	sst s6  }
0xf: {  	[smem:$0x3FAE] =	sst s7  }
0x10: {  	[smem:$0x3FAF] =	sst s8  }
0x11: {  	[smem:$0x3FB0] =	sst s9;
	s0 =	simm.s32 @!p0 $0x0  }
0x12: {  	s1 =	sld [smem:$0x3F96];
	s0 =	simm.s32 @p0 $0x1  }
0x13: {  	[smem:$0x3FB1] =	sst s0;
	s0 =	simm.s32 @!p1 $0x0  }
0x14: {  	s2 =	sld [smem:$0x3F95];
	s0 =	simm.s32 @p1 $0x1  }
0x15: {  	[smem:$0x3FB2] =	sst s0;
	s0 =	simm.s32 @!p2 $0x0  }
0x16: {  	s3 =	sld [smem:$0x3FDB];
	s0 =	simm.s32 @p2 $0x1  }
0x17: {  	s4 =	simm.s32 $0x1BF5;
	[smem:$0x3FB4] =	sst s0  }
0x18: {  	s0 =	sld [smem:$0x3F97];
	_ =	swait.ge [sflag:s4], $0x0  }
0x19: {  	s7 =	sld [smem:$0x3F98]  }
0x1a: {  	s8 =	sadd.s32 $0xFFFFE003, lr  }
0x1b: {  	s9 =	sadd.s32 $0xFFFFFEF7, lr;
	s5 =	simm.s32 $0xFFFFFFFF;
	p2 =	slt.u32 s8, $0xFFFFF086  }
0x1c: {  	p1 =	slt.u32 s9, $0xF7A;
	s5 =	simm.s32 @!p2 $0x0  }
0x1d: {  	s5 =	simm.s32 @p1 $0x1;
	p0 =	seq.s32 s7, s2  }
0x1e: {  	s7 =	smul.u32 @!p0 $0xF7A, s2;
	p2 =	seq.s32 @!p0 s5, $0x0  }
0x1f: {  	s9 =	smul.u32 $0xF7A, s1;
	s8 =	simm.s32 @!p0 $0x1BF5;
	p2 =	por !p2, p0  }
0x20: {  	[sflag:s8] =	ssyncset.s32 @!p0 $0xFFFFF086;
	s6 =	sadd.s32 @!p0 s3, s7;
	s7 =	simm.s32 @!p0 $0x108  }
0x21: {  	s3 =	sadd.s32 s3, s9;
	s6 =	sadd.s32 @!p0 $0x88, s6;
	s7 =	simm.s32 @p2 $0x1082  }
0x22: {  	[simem:s7], [sflag:s8] =	dma.local @!p0 [hbm:s6], $0xF7A  }
0x23: {  	s9 =	sor.u32 $0xD0000000, s2;
	s6 =	simm.s32 $0x108;
	_ =	swait.ge @!p0 [sflag:s8], $0x0  }
0x24: {  	s3 =	sadd.s32 $0x88, s3;
	s6 =	simm.s32 @!p1 $0x1082;
	[sflag:s4] =	ssyncset.s32 $0xFFFFF086  }
0x25: {  	[simem:s6], [sflag:s4] =	dma.local [hbm:s3], $0xF7A  }
0x26: {  	[smem:$0x3F98] =	sst s1;
	(tag) =	ssettag s2;
	_ =	strace s9  }
0x27: {  	s1 =	sld [smem:$0x3FA8]  }
0x28: {  	s2 =	sld [smem:$0x3FA9]  }
0x29: {  	s4 =	sld [smem:$0x3FAB]  }
0x2a: {  	p0 =	seq.s32 s5, $0x0;
	s5 =	sld [smem:$0x3FAC]  }
0x2b: {  	s6 =	sld [smem:$0x3FAD]  }
0x2c: {  	s7 =	sld [smem:$0x3FAE]  }
0x2d: {  	s3 =	simm.s32 $0x108;
	s8 =	sld [smem:$0x3FAF]  }
0x2e: {  	s3 =	simm.s32 @!p0 $0x1082;
	s9 =	sld [smem:$0x3FB0]  }
0x2f: {  	lr =	sadd.s32 s0, s3;
	s0 =	sld [smem:$0x3FA7]  }
0x30: {  	s3 =	sld [smem:$0x3FAA]  }
0x31: {  	[smem:$0x3FB3] =	sst s10  }
0x32: {  	s10 =	sld [smem:$0x3FB1];
	_ =	sdelay $0x3  }
0x33: {  	p0 =	seq.s32 s10, $0x1;
	s10 =	sld [smem:$0x3FB3];
	_ =	sdelay $0x3  }
0x34: {  	[smem:$0x3FB3] =	sst s10  }
0x35: {  	s10 =	sld [smem:$0x3FB2];
	_ =	sdelay $0x3  }
0x36: {  	p1 =	seq.s32 s10, $0x1;
	s10 =	sld [smem:$0x3FB3];
	_ =	sdelay $0x3  }
0x37: {  	[smem:$0x3FB3] =	sst s10  }
0x38: {  	s10 =	sld [smem:$0x3FB4]  }
0x39: {  	_ = 	snop;
	(pc) =	sbr.ind lr, $3  }
0x3a: {  	_ = 	snop  }
0x3b: {  	_ = 	snop  }
0x3c: {  	p2 =	seq.s32 s10, $0x1;
	s10 =	sld [smem:$0x3FB3]  }
0x3d: {  	_ =	shalt  }
0x3e: {  	_ =	shalt  }
0x3f: {  	_ =	shalt  }
0x40: {  	_ =	shalt  }
0x41: {  	_ =	shalt  }
0x42: {  	_ =	shalt  }
0x43: {  	_ =	shalt  }
0x44: {  	_ =	shalt  }
0x45: {  	_ =	shalt  }
0x46: {  	_ =	shalt  }
0x47: {  	_ =	shalt  }
0x48: {  	_ =	shalt  }
0x49: {  	_ =	shalt  }
0x4a: {  	_ =	shalt  }
0x4b: {  	_ =	shalt  }
0x4c: {  	_ =	shalt  }
0x4d: {  	_ =	shalt  }
0x4e: {  	_ =	shalt  }
0x4f: {  	_ =	shalt  }
0x50: {  	_ =	shalt  }
0x51: {  	_ =	shalt  }
0x52: {  	_ =	shalt  }
0x53: {  	_ =	shalt  }
0x54: {  	_ =	shalt  }
0x55: {  	_ =	shalt  }
0x56: {  	_ =	shalt  }
0x57: {  	_ =	shalt  }
0x58: {  	_ =	shalt  }
0x59: {  	_ =	shalt  }
0x5a: {  	_ =	shalt  }
0x5b: {  	_ =	shalt  }
0x5c: {  	_ =	shalt  }
0x5d: {  	_ =	shalt  }
0x5e: {  	_ =	shalt  }
0x5f: {  	_ =	shalt  }
0x60: {  	_ =	shalt  }
0x61: {  	_ =	shalt  }
0x62: {  	_ =	shalt  }
0x63: {  	_ =	shalt  }
0x64: {  	_ =	shalt  }
0x65: {  	_ =	shalt  }
0x66: {  	_ =	shalt  }
0x67: {  	_ =	shalt  }
0x68: {  	_ =	shalt  }
0x69: {  	_ =	shalt  }
0x6a: {  	_ =	shalt  }
0x6b: {  	_ =	shalt  }
0x6c: {  	_ =	shalt  }
0x6d: {  	_ =	shalt  }
0x6e: {  	_ =	shalt  }
0x6f: {  	_ =	shalt  }
0x70: {  	_ =	shalt  }
0x71: {  	_ =	shalt  }
0x72: {  	_ =	shalt  }
0x73: {  	_ =	shalt  }
0x74: {  	_ =	shalt  }
0x75: {  	_ =	shalt  }
0x76: {  	_ =	shalt  }
0x77: {  	_ =	shalt  }
0x78: {  	_ =	shalt  }
0x79: {  	_ =	shalt  }
0x7a: {  	_ =	shalt  }
0x7b: {  	_ =	shalt  }
0x7c: {  	_ =	shalt  }
0x7d: {  	_ =	shalt  }
0x7e: {  	_ =	shalt  }
0x7f: {  	_ =	shalt  }
0x80: {  	_ =	shalt  }
0x81: {  	_ =	shalt  }
0x82: {  	_ =	shalt  }
0x83: {  	_ =	shalt  }
0x84: {  	_ =	shalt  }
0x85: {  	_ =	shalt  }
0x86: {  	_ =	shalt  }
0x87: {  	_ =	shalt  }
.Lfunc_end0:
.L_simem_size_0:
called_computation_lowered:
.L_overlay_start_0:
0x88: {  	s2 =	sld [smem:$0x3FD9]  }
0x89: {  	s3 =	sld [smem:$0x3FFE];
	_ =	sdelay $0x1  }
0x8a: {  	s1 =	srdreg.scid  }
0x8b: {  	s0 =	sand.u32 $0x1, s1  }
0x8c: {  	s16 =	sshll.u32 s0, $0xA;
	s2 =	sadd.s32 s3, s2  }
0x8d: {  	s2 =	sadd.s32 s2, s16  }
0x8e: {  	[smem:$0x3FBF] =	sst s2  }
0x8f: {  	_ = 	snop  }
0x90: {  	(tm) =	ssettm $0x1  }
0x91: {  	s17 =	sld [smem:$0x3FFB];
	_ =	sdelay $0x3  }
0x92: {  	_ =	strace s17  }
0x93: {  	s2 =	sld [smem:$0x3FFC];
	_ =	sdelay $0x3  }
0x94: {  	_ =	strace s2  }
0x95: {  	s2 =	sld [smem:$0x3FFD];
	_ =	sdelay $0x3  }
0x96: {  	_ =	strace s2  }
0x97: {  	_ =	strace $0x8FFFFFFF  }
0x98: {  	s18 =	sld [smem:$0x3FDB];
	_ =	sdelay $0x1  }
0x99: {  	s19 =	simm.s32 $_scs_section_size  }
0x9a: {  	s4 =	simm.s32 $_size__tile_overlayer_lowered;
	s5 =	simm.s32 $_tile_overlayer_lowered  }
0x9b: {  	s22 =	simm.s32 $0x1BFF;
	s21 =	sshll.u32 s5, $0x1;
	s2 =	sadd.s32 s19, s18  }
0x9c: {  	s6 =	simm.s32 $0x0;
	s20 =	sshll.u32 s4, $0x1;
	s4 =	sadd.s32 s21, s2  }
0x9d: {  	[timem:s6], [sflag:s22] =	dma.local [hbm:s4], s20  }
0x9e: {  	_ =	swait.ge [sflag:s22], s20  }
0x9f: {  	s3 =	ssub.s32 $0x0, s20;
	[sflag:s22] =	ssyncset.done $0x0  }
0xa0: {  	[sflag:s22] =	ssyncadd.s32 s3;
	_ =	sdelay $0x1  }
0xa1: {  	s23 =	simm.s32 $0x1B8B  }
0xa2: {  	_ =	swait.ge [sflag:s23], $0x1  }
0xa3: {  	[sflag:s23] =	ssyncset.done $0x0  }
0xa4: {  	s25 =	simm.s32 $0x1B8E;
	s24 =	sld [smem:$0x3FFE];
	[sflag:s23] =	ssyncadd.s32 $0xFFFFFFFF  }
0xa5: {  	s26 =	simm.s32 $execute0_lowered;
	[smem:$0x3FD2] =	sst s25  }
0xa6: {  	s4 =	sshll.u32 s26, $0x1;
	_ =	strace $0x80000046;
	[dreg:$0x1] =	wrdreg $0xFFFFFFFF  }
0xa7: {  	s28 =	simm.s32 $_size_execute0_lowered;
	s2 =	sadd.s32 s2, s4;
	[dreg:$0x0] =	wrdreg $0x0  }
0xa8: {  	s4 =	sshll.u32 s28, $0x1;
	[dreg:$0x2] =	wrdreg s2  }
0xa9: {  	[dreg:$0x3] =	wrdreg s4  }
0xaa: {  	[dreg:$0x4] =	wrdreg $0xC0  }
0xab: {  	_ =	task [dreg:s6], $0x5FFFF  }
0xac: {  	[dreg:$0x1] =	wrdreg $0xFFFFFFFF  }
0xad: {  	[dreg:$0x0] =	wrdreg $0x60  }
0xae: {  	[dreg:$0x2] =	wrdreg s24  }
0xaf: {  	[dreg:$0x3] =	wrdreg $0x94000  }
0xb0: {  	[dreg:$0x4] =	wrdreg $0x9  }
0xb1: {  	_ =	task.clear_ibuf [dreg:s6], $0x5FFFF;
	_ =	strace $0x90000046  }
0xb2: {  	s29 =	simm.s32 $0x9;
	_ =	strace $0x80000048  }
0xb3: {  	_ =	swait.ge [sflag:s29], $0x1  }
0xb4: {  	[sflag:s29] =	ssyncadd.s32 $0xFFFFFFFF  }
0xb5: {  	_ =	strace $0x90000048  }
0xb6: {  	_ =	sfence  }
0xb7: {  	s30 =	sld [smem:$0x0];
	_ =	sdelay $0x2  }
0xb8: {  	s31 =	sshll.u32 s1, $0xD;
	s1 =	sshrl.u32 s1, $0x2  }
0xb9: {  	s3 =	sand.u32 $0x4000, s31;
	s1 =	sadd.s32 s1, s30  }
0xba: {  	s0 =	sor.u32 s3, s0;
	s1 =	sshll.u32 s1, $0x11  }
0xbb: {  	s0 =	sor.u32 s1, s0  }
0xbc: {  	s0 =	sadd.s32 $0x8F2B, s0  }
0xbd: {  	[sflag:s0] =	ssyncadd.remote.s32 $0x1  }
0xbe: {  	_ =	sfence.sel $0xFFFF  }
0xbf: {  	[dreg:$0x0] =	wrdreg $0xFFFFFFFF;
	(pc) =	sbr.abs _section_cstart, $3  }
0xc0: {  	[dreg:$0x1] =	wrdreg $0xFFFFFFFF  }
0xc1: {  	_ =	task.clear_ibuf [dreg:s6], $0x2FFFF;
	_ =	strace $0x9FFFFFFF  }
0xc2: {  	(tm) =	ssettm $0x7FFFFFFF  }
0xc3: {  	_ =	shalt  }
tec
execute0_lowered:
.L_overlay_start_1:
0x0: {  	(tag) =	ssettag $0x1  }
0x1: {  	s4 =	rddreg [dreg:$0x0];
	s0 =	srdreg.scid  }
0x2: {  	s2 =	rddreg [dreg:$0x1];
	s1 =	stileid.u32  }
0x3: {  	s3 =	simm.s32 $0x0;
	s14 =	simm.s32 $0x1;
	s15 =	simm.s32 $0x80  }
0x4: {  	s16 =	simm.s32 $0x1400;
	s5 =	sand.u32 $0x1, s0;
	s0 =	rddreg [dreg:$0x2]  }
0x5: {  	s7 =	smul.u32 $0x14000, s1;
	[smem:$0x7FF] =	sst s3;
	s9 =	sadd.s32 $0x3600, s4  }
0x6: {  	s28 =	smul.u32 $0x50000, s1;
	s8 =	sshll.u32 s1, $0x2;
	s17 =	sshll.u32 s1, $0x6  }
0x7: {  	s6 =	smul.u32 $0x140000, s5;
	_ =	strace $0x80000047;
	s10 =	sshll.u32 s5, $0x1  }
0x8: {  	s5 =	ssub.s32 $0x2, s5;
	s17 =	sor.u32 $0x1C01, s17;
	s8 =	sor.u32 s10, s8  }
0x9: {  	s29 =	sshrl.u32 s5, $0x1;
	s6 =	sadd.s32 s7, s6;
	s7 =	sshrl.u32 s28, $0x2  }
0xa: {  	s11 =	smul.u32 $0x1400, s8;
	s13 =	ssub.s32 s5, s29;
	s6 =	sshrl.u32 s6, $0x3  }
0xb: {  	s30 =	smul.u32 $0x280, s8;
	s12 =	sadd.s32 s6, s4;
	s4 =	sadd.s32 s7, s2  }
0xc: {  	s31 =	sshrl.u32 s11, $0x3;
	s5 =	sadd.s32 $0x4000, s4;
	s6 =	sadd.s32 $0x8000, s4  }
0xd: {  	s7 =	sadd.s32 $0xC000, s4;
	s11 =	sadd.s32 s9, s31;
	s8 =	sadd.s32 $0x10000, s4  }
0xe: {  	s9 =	sadd.s32 s9, s30;
	s18 =	sshrl.u32 s4, $0x3;
	s10 =	sadd.s32 $0x280, s11  }
0xf: {  	v0 =	vimm.f32 $1.000000000e+00;
	v1 =	vimm.f32 $0.0e+00;
	s11 =	sadd.s32 $0xD600, s12;
	s12 =	smax.u32 s13, $0x1;
	s13 =	simm.s32 $0x5400  }
.LBB2_1:
0x10: {  	s19 =	simm.s32 $0x200;
	s20 =	simm.s32 $0x0  }
.LBB2_2:
0x11: {  	p0 =	sne.s32 s19, $0xFE00;
	[tilespmem:s20+$0x1400] =	vst v0;
	s21 =	smov.u32 s19;
	s19 =	sadd.s32 $0x200, s19  }
.Ltmp0:
0x12: {  	[tilespmem:s20+$0x5400] =	vst v1;
	(pc) =	sbr.rel @p0 .LBB2_2-.Ltmp0, $2  }
0x13: {  	_ =	sdelay $0x2  }
0x14: {  	s20 =	sshra.s32 s21, $0x2  }
0x15: {  	[tilespmem:s20+$0x1400] =	vst v0  }
0x16: {  	[tilespmem:s20+$0x5400] =	vst v1  }
0x17: {  	[spmem:s4] =	stream.linear.scatter [tilespmem:s13], [sflag:$0x1], $0x4000, $0x38;
	[tilespmem:$0xBC00] =	vst v63  }
0x18: {  	_ =	swait.ge [sflag:s14], $0x4000  }
0x19: {  	[sflag:s14] =	ssyncset.done $0x0  }
0x1a: {  	[sflag:s14] =	ssyncadd.s32 $0xFFFFC000  }
0x1b: {  	[spmem:s5] =	stream.linear.scatter [tilespmem:s13], [sflag:$0x1], $0x4000, $0x38;
	[tilespmem:$0xBC00] =	vst v63  }
0x1c: {  	_ =	swait.ge [sflag:s14], $0x4000  }
0x1d: {  	[sflag:s14] =	ssyncset.done $0x0  }
0x1e: {  	[sflag:s14] =	ssyncadd.s32 $0xFFFFC000  }
0x1f: {  	[spmem:s6] =	stream.linear.scatter [tilespmem:s13], [sflag:$0x1], $0x4000, $0x38;
	[tilespmem:$0xBC00] =	vst v63  }
0x20: {  	_ =	swait.ge [sflag:s14], $0x4000  }
0x21: {  	[sflag:s14] =	ssyncset.done $0x0  }
0x22: {  	[sflag:s14] =	ssyncadd.s32 $0xFFFFC000  }
0x23: {  	[spmem:s7] =	stream.linear.scatter [tilespmem:s13], [sflag:$0x1], $0x4000, $0x38;
	[tilespmem:$0xBC00] =	vst v63  }
0x24: {  	_ =	swait.ge [sflag:s14], $0x4000  }
0x25: {  	[sflag:s14] =	ssyncset.done $0x0  }
0x26: {  	[sflag:s14] =	ssyncadd.s32 $0xFFFFC000  }
0x27: {  	[spmem:s8] =	stream.linear.scatter [tilespmem:s13], [sflag:$0x1], $0x4000, $0x38;
	[tilespmem:$0xBC00] =	vst v63  }
0x28: {  	_ =	swait.ge [sflag:s14], $0x4000  }
0x29: {  	[sflag:s14] =	ssyncset.done $0x0  }
0x2a: {  	[sflag:s14] =	ssyncadd.s32 $0xFFFFC000  }
0x2b: {  	s19 =	simm.s32 $0x0;
	[bflag:$0x0] =	sbarrier.arrive $0xFFFF  }
0x2c: {  	[tilespmem:s19], [sflag:$0x1] =	stream.linear.gather [hbm4b:s9+s19], $0x1400, $0x38;
	[tilespmem:$0xBC00] =	vst v63  }
0x2d: {  	_ =	swait.ge [sflag:s14], $0x1400  }
0x2e: {  	[sflag:s14] =	ssyncset.done $0x0  }
0x2f: {  	s31 =	simm.s32 $0x0;
	[sflag:s14] =	ssyncadd.s32 $0xFFFFEC00  }
0x30: {  	[spmem:s2] =	stream.indirect.scatter.add.f32 [tilespmem:s16], [sflag:$0x1], $0x10, s31, s15, $0xb8;
	[tilespmem:$0xBC00] =	vst v63  }
0x31: {  	_ =	swait.ge [sflag:s14], $0x800  }
0x32: {  	s19 =	simm.s32 $0x200;
	[sflag:s14] =	ssyncset.done $0x0  }
.LBB2_4:
0x33: {  	s20 =	sshra.s32 s19, $0x2;
	[sflag:s14] =	ssyncadd.s32 $0xFFFFF800;
	p0 =	sne.s32 s19, $0x4E00  }
0x34: {  	[spmem:s2] =	stream.indirect.scatter.add.f32 [tilespmem:s16], [sflag:$0x1], $0x10, s20, s15, $0xb8;
	[tilespmem:$0xBC00] =	vst v63  }
.Ltmp1:
0x35: {  	_ = 	snop;
	(pc) =	sbr.rel @p0 .LBB2_4-.Ltmp1, $4  }
0x36: {  	_ = 	snop  }
0x37: {  	s19 =	sadd.s32 $0x200, s19  }
0x38: {  	_ =	swait.ge [sflag:s14], $0x800  }
0x39: {  	[sflag:s14] =	ssyncset.done $0x0  }
0x3a: {  	[sflag:s14] =	ssyncadd.s32 $0xFFFFF800;
	s19 =	simm.s32 $0x0  }
0x3b: {  	[tilespmem:s19], [sflag:$0x1] =	stream.linear.gather [hbm4b:s10+s19], $0x1400, $0x38;
	[tilespmem:$0xBC00] =	vst v63  }
0x3c: {  	_ =	swait.ge [sflag:s14], $0x1400  }
0x3d: {  	[sflag:s14] =	ssyncset.done $0x0  }
0x3e: {  	s31 =	simm.s32 $0x0;
	[sflag:s14] =	ssyncadd.s32 $0xFFFFEC00  }
0x3f: {  	[spmem:s2] =	stream.indirect.scatter.add.f32 [tilespmem:s16], [sflag:$0x1], $0x10, s31, s15, $0xb8;
	[tilespmem:$0xBC00] =	vst v63  }
0x40: {  	_ =	swait.ge [sflag:s14], $0x800  }
0x41: {  	s19 =	simm.s32 $0x200;
	[sflag:s14] =	ssyncset.done $0x0  }
.LBB2_6:
0x42: {  	s20 =	sshra.s32 s19, $0x2;
	[sflag:s14] =	ssyncadd.s32 $0xFFFFF800;
	p0 =	sne.s32 s19, $0x4E00  }
0x43: {  	[spmem:s2] =	stream.indirect.scatter.add.f32 [tilespmem:s16], [sflag:$0x1], $0x10, s20, s15, $0xb8;
	[tilespmem:$0xBC00] =	vst v63  }
.Ltmp2:
0x44: {  	_ = 	snop;
	(pc) =	sbr.rel @p0 .LBB2_6-.Ltmp2, $4  }
0x45: {  	_ = 	snop  }
0x46: {  	s19 =	sadd.s32 $0x200, s19  }
0x47: {  	_ =	swait.ge [sflag:s14], $0x800  }
0x48: {  	[sflag:s14] =	ssyncset.done $0x0  }
0x49: {  	s3 =	sadd.s32 $0x1, s3  }
0x4a: {  	[sflag:s14] =	ssyncadd.s32 $0xFFFFF800;
	p0 =	sne.s32 s3, s12  }
.Ltmp3:
0x4b: {  	[bflag:$0x0] =	sbarrier.arrive $0xFFFF;
	(pc) =	sbr.rel @p0 .LBB2_1-.Ltmp3, $4  }
0x4c: {  	[hbm:s11], [sflag:s17] =	dma.local [spmem:s18], $0x2800  }
0x4d: {  	_ =	swait.ge [sflag:s14], $0x2800  }
0x4e: {  	[sflag:s14] =	ssyncset.done $0x0  }
0x4f: {  	[sflag:s14] =	ssyncadd.s32 $0xFFFFD800  }
0x50: {  	_ =	sfence.sel $0x180000  }
0x51: {  	[bflag:$0x0] =	sbarrier.arrive $0xFFFF  }
0x52: {  	p0 =	sne.s32 s1, $0x0;
	_ =	strace $0x90000047  }
0x53: {  	s0 =	sadd.s32 @!p0 $0x100000, s0;
	[bflag:$0x2] =	sbarrier.arrive $0xFFFF  }
0x54: {  	[sflag:s0] =	ssyncadd.tile.s32 @!p0 $0x1;
	_ =	shalt  }
.Lfunc_end2:
_tile_overlayer_lowered:
.L_overlay_start_2:
0x55: {  	(tag) =	ssettag $0x2  }
0x56: {  	s0 =	rddreg [dreg:$0x0];
	s2 =	stileid.u32  }
0x57: {  	s1 =	rddreg [dreg:$0x1];
	p0 =	sne.s32 s2, $0x0  }
0x58: {  	s3 =	rddreg [dreg:$0x2];
	[bflag:$0x3] =	sbarrier.arrive $0xFFFF;
	s2 =	simm.s32 @!p0 $0x1C01  }
0x59: {  	[timem:s3], [sflag:s2] =	dma.local @!p0 [hbm:s0], s1  }
0x5a: {  	s0 =	simm.s32 @!p0 $0x1  }
0x5b: {  	_ =	swait.ge @!p0 [sflag:s0], s1  }
0x5c: {  	s1 =	ssub.s32 @!p0 $0x0, s1;
	[sflag:s0] =	ssyncset.done @!p0 $0x0  }
0x5d: {  	[sflag:s0] =	ssyncadd.s32 @!p0 s1  }
0x5e: {  	[bflag:$0x3] =	sbarrier.arrive $0xFFFF  }
0x5f: {  	_ =	shalt  }

</sc_bundles>
